<compile_context>
chip_gen: v7x
topology: tpu7x:2x2x1
jax: 0.10.2.dev20260603
libtpu: 0.0.44.dev20260713+nightly
codegen_flags: <defaults>
</compile_context>

<pallas_src>
import jax
import jax.numpy as jnp
from jax.experimental import pallas as pl

WIMG = 256.0
FX = 220.0
FY = 220.0
NT = 16
TS = 16
KSEL = 64

C0 = 0.28209479177387814
C1 = 0.4886025119029199
C2 = (1.0925484305920792, -1.0925484305920792, 0.31539156525252005,
      -1.0925484305920792, 0.5462742152960396)
C3 = (-0.5900435899266435, 2.890611442640554, -0.4570457994644658,
      0.3731763325901154, -0.4570457994644658, 1.445305721320277,
      -0.5900435899266435)

_B = 2048


def _feat_body(inp_ref, cam_ref, out_ref, score_ref):
    f = inp_ref[...]
    cam = cam_ref[...]

    def cs(k):
        return cam[0:1, k:k + 1]

    x = f[0:1]; y = f[1:2]; z = f[2:3]
    sx = f[3:4]; sy = f[4:5]; sz = f[5:6]
    qr = f[6:7]; qx = f[7:8]; qy = f[8:9]; qz = f[9:10]
    op = f[10:11]; vld = f[11:12]

    w00 = cs(0); w01 = cs(1); w02 = cs(2)
    w10 = cs(3); w11 = cs(4); w12 = cs(5)
    w20 = cs(6); w21 = cs(7); w22 = cs(8)
    t0 = cs(9); t1 = cs(10); t2 = cs(11)
    cx = cs(12); cy = cs(13); cz = cs(14)

    def bf(v):
        return jax.lax.convert_element_type(
            jax.lax.convert_element_type(v, jnp.bfloat16), jnp.float32)

    xb = bf(x); yb = bf(y); zb = bf(z)
    w00b = bf(w00); w01b = bf(w01); w02b = bf(w02)
    w10b = bf(w10); w11b = bf(w11); w12b = bf(w12)
    w20b = bf(w20); w21b = bf(w21); w22b = bf(w22)
    tx = (xb * w00b + yb * w01b) + zb * w02b + t0
    ty = (xb * w10b + yb * w11b) + zb * w12b + t1
    tz = (xb * w20b + yb * w21b) + zb * w22b + t2
    frontf = jnp.where((tz > 0.2) & (vld > 0.5), 1.0, 0.0)
    tzs = jnp.maximum(tz, 0.2)
    px = FX * tx / tzs + WIMG / 2.0
    py = FY * ty / tzs + WIMG / 2.0

    qn = jnp.sqrt(qr * qr + qx * qx + qy * qy + qz * qz) + 1e-8
    r_ = qr / qn; xq = qx / qn; yq = qy / qn; zq = qz / qn
    r00 = 1.0 - 2.0 * (yq * yq + zq * zq)
    r01 = 2.0 * (xq * yq - r_ * zq)
    r02 = 2.0 * (xq * zq + r_ * yq)
    r10 = 2.0 * (xq * yq + r_ * zq)
    r11 = 1.0 - 2.0 * (xq * xq + zq * zq)
    r12 = 2.0 * (yq * zq - r_ * xq)
    r20 = 2.0 * (xq * zq - r_ * yq)
    r21 = 2.0 * (yq * zq + r_ * xq)
    r22 = 1.0 - 2.0 * (xq * xq + yq * yq)
    m00 = bf(r00 * sx); m01 = bf(r01 * sy); m02 = bf(r02 * sz)
    m10 = bf(r10 * sx); m11 = bf(r11 * sy); m12 = bf(r12 * sz)
    m20 = bf(r20 * sx); m21 = bf(r21 * sy); m22 = bf(r22 * sz)
    c00 = (m00 * m00 + m01 * m01) + m02 * m02
    c01 = (m00 * m10 + m01 * m11) + m02 * m12
    c02 = (m00 * m20 + m01 * m21) + m02 * m22
    c10 = (m10 * m00 + m11 * m01) + m12 * m02
    c11 = (m10 * m10 + m11 * m11) + m12 * m12
    c12 = (m10 * m20 + m11 * m21) + m12 * m22
    c20 = (m20 * m00 + m21 * m01) + m22 * m02
    c21 = (m20 * m10 + m21 * m11) + m22 * m12
    c22 = (m20 * m20 + m21 * m21) + m22 * m22

    tzs2 = tzs * tzs
    j00 = bf(FX / tzs); j02 = bf(-FX * tx / tzs2)
    j11 = bf(FY / tzs); j12 = bf(-FY * ty / tzs2)
    u0 = j00 * w00b + j02 * w20b
    u1 = j00 * w01b + j02 * w21b
    u2 = j00 * w02b + j02 * w22b
    v0 = j11 * w10b + j12 * w20b
    v1 = j11 * w11b + j12 * w21b
    v2 = j11 * w12b + j12 * w22b
    ub0 = bf(u0); ub1 = bf(u1); ub2 = bf(u2)
    vb0 = bf(v0); vb1 = bf(v1); vb2 = bf(v2)
    c00b = bf(c00); c01b = bf(c01); c02b = bf(c02)
    c10b = bf(c10); c11b = bf(c11); c12b = bf(c12)
    c20b = bf(c20); c21b = bf(c21); c22b = bf(c22)
    p00 = bf((ub0 * c00b + ub1 * c10b) + ub2 * c20b)
    p01 = bf((ub0 * c01b + ub1 * c11b) + ub2 * c21b)
    p02 = bf((ub0 * c02b + ub1 * c12b) + ub2 * c22b)
    p10 = bf((vb0 * c00b + vb1 * c10b) + vb2 * c20b)
    p11 = bf((vb0 * c01b + vb1 * c11b) + vb2 * c21b)
    p12 = bf((vb0 * c02b + vb1 * c12b) + vb2 * c22b)
    a = (p00 * ub0 + p01 * ub1) + p02 * ub2 + 0.3
    b = (p00 * vb0 + p01 * vb1) + p02 * vb2
    b2 = (p10 * ub0 + p11 * ub1) + p12 * ub2
    d = (p10 * vb0 + p11 * vb1) + p12 * vb2 + 0.3
    trace = a + d
    det = a * d - b * b2
    term2 = 0.5 * jnp.sqrt(jnp.maximum(trace * trace - 4.0 * det, 1e-12))
    term1 = 0.5 * trace
    radius = 3.0 * jnp.sqrt(jnp.maximum(term1 - term2, term1 + term2))
    i00 = d / det
    i01s = (-b / det) + (-b2 / det)
    i11 = a / det

    dxx = x - cx; dyy = y - cy; dzz = z - cz
    dn = jnp.sqrt(dxx * dxx + dyy * dyy + dzz * dzz) + 1e-8
    dx = dxx / dn; dy = dyy / dn; dz = dzz / dn
    xx = dx * dx; yy = dy * dy; zz = dz * dz
    xy = dx * dy; yz = dy * dz; xz = dx * dz
    basis = (None, -C1 * dy, C1 * dz, -C1 * dx,
             C2[0] * xy, C2[1] * yz, C2[2] * (2.0 * zz - xx - yy),
             C2[3] * xz, C2[4] * (xx - yy),
             C3[0] * dy * (3.0 * xx - yy), C3[1] * xy * dz,
             C3[2] * dy * (4.0 * zz - xx - yy),
             C3[3] * dz * (2.0 * zz - 3.0 * xx - 3.0 * yy),
             C3[4] * dx * (4.0 * zz - xx - yy),
             C3[5] * dz * (xx - yy), C3[6] * dx * (xx - 3.0 * yy))
    cols = []
    for c in range(3):
        acc = C0 * f[12 + c:13 + c]
        for l in range(1, 16):
            acc = acc + basis[l] * f[12 + 3 * l + c:13 + 3 * l + c]
        cols.append(jnp.maximum(acc + 0.5, 0.0))

    xlo = px - radius; xhi = px + radius
    ylo = py - radius; yhi = py + radius
    out = jnp.concatenate([
        px, py, tz, radius, i00, i01s, i11, op,
        cols[0], cols[1], cols[2], frontf,
        xlo, xhi, ylo, yhi,
    ], axis=0)
    out_ref[...] = out

    tids = jax.lax.broadcasted_iota(jnp.int32, (NT * NT, 1), 0)
    left = jax.lax.convert_element_type((tids // NT) * TS, jnp.float32)
    top = jax.lax.convert_element_type((tids % NT) * TS, jnp.float32)
    inter = ((xhi >= left) & (xlo <= left + TS)
             & (yhi >= top) & (ylo <= top + TS) & (frontf > 0.5))
    score_ref[...] = jnp.where(inter, -tz, -1e10)


def _blend_body(pack_ref, out_ref):
    f = pack_ref[0]
    g_px = f[:, 0:1]; g_py = f[:, 1:2]
    i00 = f[:, 2:3]; i01s = f[:, 3:4]; i11 = f[:, 4:5]
    g_op = f[:, 5:6]; validc = f[:, 6:7]
    t = pl.program_id(0)
    txf = jax.lax.convert_element_type((t // NT) * TS, jnp.float32)
    tyf = jax.lax.convert_element_type((t % NT) * TS, jnp.float32)
    ii = jax.lax.broadcasted_iota(jnp.int32, (1, TS * TS), 1)
    xi = jax.lax.convert_element_type(ii // TS, jnp.float32)
    yi = jax.lax.convert_element_type(ii % TS, jnp.float32)
    xs = xi + txf + 0.5
    ys = yi + tyf + 0.5
    dx = xs - g_px
    dy = ys - g_py
    power = -0.5 * (i00 * dx * dx + i11 * dy * dy + i01s * dx * dy)
    prob = jnp.exp(jnp.minimum(power, 0.0))
    alpha = jnp.clip(g_op * prob, 0.01, 0.99) * validc
    om = 1.0 - alpha
    e = jnp.concatenate([jnp.ones((1, TS * TS), jnp.float32), om[:KSEL - 1]], axis=0)
    s = 1
    while s < KSEL:
        e = e * jnp.concatenate(
            [jnp.ones((s, TS * TS), jnp.float32), e[:KSEL - s]], axis=0)
        s *= 2
    contrib = alpha * e
    for c in range(3):
        cc = f[:, 8 + c:9 + c]
        out_ref[0, c:c + 1, :] = jnp.sum(contrib * cc, axis=0, keepdims=True)


def _features(coords, scales, quats, opacity, sh, viewmat, cam_pos):
    n = coords.shape[0]
    npad = ((n + _B - 1) // _B) * _B
    pad = npad - n

    def padt(arr2):
        return jnp.pad(arr2, ((0, 0), (0, pad)))

    inp = jnp.concatenate([
        padt(coords.T.astype(jnp.float32)),
        padt(scales.T.astype(jnp.float32)),
        padt(quats.T.astype(jnp.float32)),
        padt(opacity[None].astype(jnp.float32)),
        jnp.pad(jnp.ones((1, n), jnp.float32), ((0, 0), (0, pad))),
        padt(sh.astype(jnp.float32).transpose(1, 2, 0).reshape(48, n)),
        jnp.zeros((4, npad), jnp.float32),
    ], axis=0)
    wm = viewmat[:3, :3].astype(jnp.float32)
    camv = jnp.zeros((8, 128), jnp.float32).at[0, :15].set(
        jnp.concatenate([wm.reshape(9), viewmat[:3, 3].astype(jnp.float32),
                         cam_pos.astype(jnp.float32)]))

    feats = pl.pallas_call(
        _feat_body,
        grid=(npad // _B,),
        in_specs=[
            pl.BlockSpec((64, _B), lambda i: (0, i)),
            pl.BlockSpec((8, 128), lambda i: (0, 0)),
        ],
        out_specs=[pl.BlockSpec((16, _B), lambda i: (0, i)),
                   pl.BlockSpec((NT * NT, _B), lambda i: (0, i))],
        out_shape=[jax.ShapeDtypeStruct((16, npad), jnp.float32),
                   jax.ShapeDtypeStruct((NT * NT, npad), jnp.float32)],
    )(inp, camv)
    return feats


def kernel(coords, scales, quats, opacity, sh, viewmat, cam_pos):
    feats, score = _features(coords, scales, quats, opacity, sh, viewmat, cam_pos)
    sc, idx = jax.lax.top_k(score, KSEL)
    validf = (sc > -1e9).astype(jnp.float32)

    g = feats[:, idx.reshape(-1)].reshape(16, NT * NT, KSEL)
    pack = jnp.stack([
        g[0], g[1], g[4], g[5], g[6], g[7], validf, jnp.zeros_like(validf),
        g[8], g[9], g[10], jnp.zeros_like(validf),
    ], axis=-1)
    pack = jnp.pad(pack, ((0, 0), (0, 0), (0, 4)))

    out = pl.pallas_call(
        _blend_body,
        grid=(NT * NT,),
        in_specs=[pl.BlockSpec((1, KSEL, 16), lambda i: (i, 0, 0))],
        out_specs=pl.BlockSpec((1, 3, TS * TS), lambda i: (i, 0, 0)),
        out_shape=jax.ShapeDtypeStruct((NT * NT, 3, TS * TS), jnp.float32),
    )(pack)

    img = out.reshape(NT, NT, 3, TS, TS).transpose(0, 3, 1, 4, 2)
    return img.reshape(int(WIMG), int(WIMG), 3)

# --- scband reference (transcript-rebuilt; emitter-appended) ---
"""Pipeline reference for scband-gaussian-renderer-36670430773891 (READ-ONLY COPY).

The authoritative reference and input builder live on the scoring server;
editing this copy changes nothing except your own understanding.
"""

import jax, jax.numpy as jnp
import numpy as np

W = 256
H = 256
NUM_TILE = 16
TS = 16
K_PER_TILE = 64
FX = 220.0
FY = 220.0

C0 = 0.28209479177387814
C1 = 0.4886025119029199
C2 = (1.0925484305920792, -1.0925484305920792, 0.31539156525252005, -1.0925484305920792, 0.5462742152960396)
C3 = (-0.5900435899266435, 2.890611442640554, -0.4570457994644658, 0.3731763325901154, -0.4570457994644658, 1.445305721320277, -0.5900435899266435)


def build_rotation(q):
    q = q / (jnp.linalg.norm(q, axis=-1, keepdims=True) + 1e-8)
    r, x, y, z = q[:, 0], q[:, 1], q[:, 2], q[:, 3]
    R = jnp.stack([
        1.0 - 2.0 * (y * y + z * z), 2.0 * (x * y - r * z), 2.0 * (x * z + r * y),
        2.0 * (x * y + r * z), 1.0 - 2.0 * (x * x + z * z), 2.0 * (y * z - r * x),
        2.0 * (x * z - r * y), 2.0 * (y * z + r * x), 1.0 - 2.0 * (x * x + y * y)
    ], axis=-1).reshape(-1, 3, 3)
    return R


def eval_sh(sh3, dirs):
    # sh3: [N, 3, 16], dirs: [N, 3] (normalized)
    x = dirs[:, 0:1]; y = dirs[:, 1:2]; z = dirs[:, 2:3]
    res = C0 * sh3[..., 0]
    res = res - C1 * y * sh3[..., 1] + C1 * z * sh3[..., 2] - C1 * x * sh3[..., 3]
    xx = x * x; yy = y * y; zz = z * z; xy = x * y; yz = y * z; xz = x * z
    res = (res + C2[0] * xy * sh3[..., 4] + C2[1] * yz * sh3[..., 5]
           + C2[2] * (2.0 * zz - xx - yy) * sh3[..., 6]
           + C2[3] * xz * sh3[..., 7] + C2[4] * (xx - yy) * sh3[..., 8])
    res = (res + C3[0] * y * (3.0 * xx - yy) * sh3[..., 9]
           + C3[1] * xy * z * sh3[..., 10]
           + C3[2] * y * (4.0 * zz - xx - yy) * sh3[..., 11]
           + C3[3] * z * (2.0 * zz - 3.0 * xx - 3.0 * yy) * sh3[..., 12]
           + C3[4] * x * (4.0 * zz - xx - yy) * sh3[..., 13]
           + C3[5] * z * (xx - yy) * sh3[..., 14]
           + C3[6] * x * (xx - 3.0 * yy) * sh3[..., 15])
    return res


def get_radius(cov2d):
    trace = cov2d[:, 0, 0] + cov2d[:, 1, 1]
    det = cov2d[:, 0, 0] * cov2d[:, 1, 1] - cov2d[:, 0, 1] * cov2d[:, 1, 0]
    term1 = 0.5 * trace
    term2 = 0.5 * jnp.sqrt(jnp.clip(trace * trace - 4.0 * det, 1e-12))
    return 3.0 * jnp.sqrt(jnp.maximum(term1 - term2, term1 + term2))


def forward(coords, scales, quats, opacity, sh, viewmat, cam_pos):
    # --- model.get_covariance() ---
    Rm = build_rotation(quats)
    M = Rm * scales[:, None, :]
    cov3d = M @ jnp.swapaxes(M, 1, 2)
    # --- cam.project_gaussian ---
    Wm = viewmat[:3, :3]
    t = coords @ Wm.T + viewmat[:3, 3]
    tx, ty, tz = t[:, 0], t[:, 1], t[:, 2]
    front = tz > 0.2
    tzs = jnp.maximum(tz, 0.2)
    px = FX * tx / tzs + W / 2.0
    py = FY * ty / tzs + H / 2.0
    depth = tz
    row0 = jnp.stack([FX / tzs, jnp.zeros_like(tzs), -FX * tx / (tzs * tzs)], axis=-1)
    row1 = jnp.stack([jnp.zeros_like(tzs), FY / tzs, -FY * ty / (tzs * tzs)], axis=-1)
    J = jnp.stack([row0, row1], axis=1)
    T = jnp.einsum('nij,jk->nik', J, Wm)
    cov2d = T @ cov3d @ jnp.swapaxes(T, 1, 2) + 0.3 * jnp.eye(2, dtype=coords.dtype)
    # --- color via SH ---
    dirs = coords - cam_pos
    dirs = dirs / (jnp.linalg.norm(dirs, axis=-1, keepdims=True) + 1e-8)
    sh3 = jnp.transpose(sh, (0, 2, 1))  # [N, 3, 16]
    color = jnp.clip(eval_sh(sh3, dirs) + 0.5, 0.0)
    # --- tiling (fixed K per tile, depth-sorted) ---
    radius = get_radius(cov2d)
    tids = jnp.arange(NUM_TILE * NUM_TILE)
    tx_idx = tids // NUM_TILE
    ty_idx = tids % NUM_TILE
    left = (tx_idx * TS).astype(coords.dtype)
    top = (ty_idx * TS).astype(coords.dtype)
    inter_x = (px[None, :] + radius[None, :] >= left[:, None]) & (px[None, :] - radius[None, :] <= left[:, None] + TS)
    inter_y = (py[None, :] + radius[None, :] >= top[:, None]) & (py[None, :] - radius[None, :] <= top[:, None] + TS)
    intersect = inter_x & inter_y & front[None, :]
    score = jnp.where(intersect, -depth[None, :], -1e10)
    sc, idx = jax.lax.top_k(score, K_PER_TILE)  # ascending depth order
    valid = (sc > -1e9).astype(coords.dtype)
    g_px = px[idx]; g_py = py[idx]
    g_cov = cov2d[idx]
    g_op = opacity[idx]
    g_col = color[idx]
    a = g_cov[..., 0, 0]; b = g_cov[..., 0, 1]; c = g_cov[..., 1, 0]; d = g_cov[..., 1, 1]
    detc = a * d - b * c
    i00 = d / detc; i01 = -b / detc; i10 = -c / detc; i11 = a / detc
    xs = left[:, None] + jnp.arange(TS, dtype=coords.dtype)[None, :] + 0.5  # [T, TS]
    ys = top[:, None] + jnp.arange(TS, dtype=coords.dtype)[None, :] + 0.5
    dx = xs[:, None, :, None] - g_px[:, :, None, None]  # [T, K, TS, 1]
    dy = ys[:, None, None, :] - g_py[:, :, None, None]  # [T, K, 1, TS]
    power = -0.5 * (i00[:, :, None, None] * dx * dx + i11[:, :, None, None] * dy * dy + (i01 + i10)[:, :, None, None] * dx * dy)
    prob = jnp.exp(jnp.minimum(power, 0.0))  # [T, K, TS, TS]
    alpha = jnp.clip(g_op[:, :, None, None] * prob, 0.01, 0.99) * valid[:, :, None, None]
    alpha = jnp.transpose(alpha, (0, 2, 3, 1))  # [T, TS, TS, K]
    ones = jnp.ones(alpha.shape[:-1] + (1,), dtype=alpha.dtype)
    weight = jnp.cumprod(jnp.concatenate([ones, 1.0 - alpha[..., :-1]], axis=-1), axis=-1)
    tile_color = jnp.einsum('tijk,tkc->tijc', alpha * weight, g_col)  # [T, TS, TS, 3]
    img = tile_color.reshape(NUM_TILE, NUM_TILE, TS, TS, 3).transpose(0, 2, 1, 3, 4).reshape(W, H, 3)
    return img


def setup_inputs(seed: int = 0) -> dict:
    key = jax.random.key(seed)
    ks = jax.random.split(key, 5)
    N = 100000
    coords = jax.random.normal(ks[0], (N, 3), dtype=jnp.float32) * 2.0
    scales = jax.random.uniform(ks[1], (N, 3), dtype=jnp.float32) * 0.05 + 0.01
    quats = jax.random.normal(ks[2], (N, 4), dtype=jnp.float32)
    opacity = jax.random.uniform(ks[3], (N,), dtype=jnp.float32)
    sh = jax.random.normal(ks[4], (N, 16, 3), dtype=jnp.float32) * 0.3
    viewmat = jnp.array([[1.0, 0.0, 0.0, 0.0], [0.0, 1.0, 0.0, 0.0], [0.0, 0.0, 1.0, 5.0], [0.0, 0.0, 0.0, 1.0]], dtype=jnp.float32)
    cam_pos = jnp.array([0.0, 0.0, -5.0], dtype=jnp.float32)
    return {"coords": coords, "scales": scales, "quats": quats, "opacity": opacity, "sh": sh, "viewmat": viewmat, "cam_pos": cam_pos}


def reference(coords, scales, quats, opacity, sh, viewmat, cam_pos):
    return forward(coords, scales, quats, opacity, sh, viewmat, cam_pos)

if __name__ == "__main__":
    import jax
    _d = setup_inputs()
    print(jax.jit(kernel)(*tuple(_d.values())))

</pallas_src>

<mosaic_0001>
module attributes {stable_mosaic.version = 14 : i64} {
  func.func @_feat_body(%arg0: i32, %arg1: memref<64x2048xf32, #tpu.memory_space<vmem>>, %arg2: memref<8x128xf32, #tpu.memory_space<vmem>>, %arg3: memref<16x2048xf32, #tpu.memory_space<vmem>>, %arg4: memref<256x2048xf32, #tpu.memory_space<vmem>>) attributes {dimension_semantics = [#tpu.dimension_semantics<arbitrary>], iteration_bounds = array<i64: 49>, scalar_prefetch = 0 : i64, scratch_operands = 0 : i64, tpu.core_type = #tpu.core_type<tc>, window_params = [{transform_indices = @transform_0, window_bounds = array<i64: 64, 2048>}, {pipeline_mode = #tpu.pipeline_mode<synchronous>, transform_indices = @transform_1, window_bounds = array<i64: 8, 128>}, {transform_indices = @transform_2, window_bounds = array<i64: 16, 2048>}, {transform_indices = @transform_3, window_bounds = array<i64: 256, 2048>}]} {
    %get3A = arith.constant 0 : index
    %get3A_0 = arith.constant 0 : index
    %get3A_1 = vector.load %arg1[%get3A, %get3A_0] : memref<64x2048xf32, #tpu.memory_space<vmem>>, vector<64x2048xf32>
    %get3A_2 = arith.constant 0 : index
    %get3A_3 = arith.constant 0 : index
    %get3A_4 = vector.load %arg2[%get3A_2, %get3A_3] : memref<8x128xf32, #tpu.memory_space<vmem>>, vector<8x128xf32>
    %slice3A = vector.extract_strided_slice %get3A_1 {offsets = [0, 0], sizes = [1, 2048], strides = [1, 1]} : vector<64x2048xf32> to vector<1x2048xf32>
    %slice3A_5 = vector.extract_strided_slice %get3A_1 {offsets = [1, 0], sizes = [1, 2048], strides = [1, 1]} : vector<64x2048xf32> to vector<1x2048xf32>
    %slice3A_6 = vector.extract_strided_slice %get3A_1 {offsets = [2, 0], sizes = [1, 2048], strides = [1, 1]} : vector<64x2048xf32> to vector<1x2048xf32>
    %slice3A_7 = vector.extract_strided_slice %get3A_1 {offsets = [3, 0], sizes = [1, 2048], strides = [1, 1]} : vector<64x2048xf32> to vector<1x2048xf32>
    %slice3A_8 = vector.extract_strided_slice %get3A_1 {offsets = [4, 0], sizes = [1, 2048], strides = [1, 1]} : vector<64x2048xf32> to vector<1x2048xf32>
    %slice3A_9 = vector.extract_strided_slice %get3A_1 {offsets = [5, 0], sizes = [1, 2048], strides = [1, 1]} : vector<64x2048xf32> to vector<1x2048xf32>
    %slice3A_10 = vector.extract_strided_slice %get3A_1 {offsets = [6, 0], sizes = [1, 2048], strides = [1, 1]} : vector<64x2048xf32> to vector<1x2048xf32>
    %slice3A_11 = vector.extract_strided_slice %get3A_1 {offsets = [7, 0], sizes = [1, 2048], strides = [1, 1]} : vector<64x2048xf32> to vector<1x2048xf32>
    %slice3A_12 = vector.extract_strided_slice %get3A_1 {offsets = [8, 0], sizes = [1, 2048], strides = [1, 1]} : vector<64x2048xf32> to vector<1x2048xf32>
    %slice3A_13 = vector.extract_strided_slice %get3A_1 {offsets = [9, 0], sizes = [1, 2048], strides = [1, 1]} : vector<64x2048xf32> to vector<1x2048xf32>
    %slice3A_14 = vector.extract_strided_slice %get3A_1 {offsets = [10, 0], sizes = [1, 2048], strides = [1, 1]} : vector<64x2048xf32> to vector<1x2048xf32>
    %slice3A_15 = vector.extract_strided_slice %get3A_1 {offsets = [11, 0], sizes = [1, 2048], strides = [1, 1]} : vector<64x2048xf32> to vector<1x2048xf32>
    %slice3A_16 = vector.extract_strided_slice %get3A_4 {offsets = [0, 0], sizes = [1, 1], strides = [1, 1]} : vector<8x128xf32> to vector<1x1xf32>
    %slice3A_17 = vector.extract_strided_slice %get3A_4 {offsets = [0, 1], sizes = [1, 1], strides = [1, 1]} : vector<8x128xf32> to vector<1x1xf32>
    %slice3A_18 = vector.extract_strided_slice %get3A_4 {offsets = [0, 2], sizes = [1, 1], strides = [1, 1]} : vector<8x128xf32> to vector<1x1xf32>
    %slice3A_19 = vector.extract_strided_slice %get3A_4 {offsets = [0, 3], sizes = [1, 1], strides = [1, 1]} : vector<8x128xf32> to vector<1x1xf32>
    %slice3A_20 = vector.extract_strided_slice %get3A_4 {offsets = [0, 4], sizes = [1, 1], strides = [1, 1]} : vector<8x128xf32> to vector<1x1xf32>
    %slice3A_21 = vector.extract_strided_slice %get3A_4 {offsets = [0, 5], sizes = [1, 1], strides = [1, 1]} : vector<8x128xf32> to vector<1x1xf32>
    %slice3A_22 = vector.extract_strided_slice %get3A_4 {offsets = [0, 6], sizes = [1, 1], strides = [1, 1]} : vector<8x128xf32> to vector<1x1xf32>
    %slice3A_23 = vector.extract_strided_slice %get3A_4 {offsets = [0, 7], sizes = [1, 1], strides = [1, 1]} : vector<8x128xf32> to vector<1x1xf32>
    %slice3A_24 = vector.extract_strided_slice %get3A_4 {offsets = [0, 8], sizes = [1, 1], strides = [1, 1]} : vector<8x128xf32> to vector<1x1xf32>
    %slice3A_25 = vector.extract_strided_slice %get3A_4 {offsets = [0, 9], sizes = [1, 1], strides = [1, 1]} : vector<8x128xf32> to vector<1x1xf32>
    %slice3A_26 = vector.extract_strided_slice %get3A_4 {offsets = [0, 10], sizes = [1, 1], strides = [1, 1]} : vector<8x128xf32> to vector<1x1xf32>
    %slice3A_27 = vector.extract_strided_slice %get3A_4 {offsets = [0, 11], sizes = [1, 1], strides = [1, 1]} : vector<8x128xf32> to vector<1x1xf32>
    %slice3A_28 = vector.extract_strided_slice %get3A_4 {offsets = [0, 12], sizes = [1, 1], strides = [1, 1]} : vector<8x128xf32> to vector<1x1xf32>
    %slice3A_29 = vector.extract_strided_slice %get3A_4 {offsets = [0, 13], sizes = [1, 1], strides = [1, 1]} : vector<8x128xf32> to vector<1x1xf32>
    %slice3A_30 = vector.extract_strided_slice %get3A_4 {offsets = [0, 14], sizes = [1, 1], strides = [1, 1]} : vector<8x128xf32> to vector<1x1xf32>
    %convert_element_type3A = arith.truncf %slice3A : vector<1x2048xf32> to vector<1x2048xbf16>
    %convert_element_type3A_31 = arith.extf %convert_element_type3A : vector<1x2048xbf16> to vector<1x2048xf32>
    %convert_element_type3A_32 = arith.truncf %slice3A_5 : vector<1x2048xf32> to vector<1x2048xbf16>
    %convert_element_type3A_33 = arith.extf %convert_element_type3A_32 : vector<1x2048xbf16> to vector<1x2048xf32>
    %convert_element_type3A_34 = arith.truncf %slice3A_6 : vector<1x2048xf32> to vector<1x2048xbf16>
    %convert_element_type3A_35 = arith.extf %convert_element_type3A_34 : vector<1x2048xbf16> to vector<1x2048xf32>
    %convert_element_type3A_36 = arith.truncf %slice3A_16 : vector<1x1xf32> to vector<1x1xbf16>
    %convert_element_type3A_37 = arith.extf %convert_element_type3A_36 : vector<1x1xbf16> to vector<1x1xf32>
    %convert_element_type3A_38 = arith.truncf %slice3A_17 : vector<1x1xf32> to vector<1x1xbf16>
    %convert_element_type3A_39 = arith.extf %convert_element_type3A_38 : vector<1x1xbf16> to vector<1x1xf32>
    %convert_element_type3A_40 = arith.truncf %slice3A_18 : vector<1x1xf32> to vector<1x1xbf16>
    %convert_element_type3A_41 = arith.extf %convert_element_type3A_40 : vector<1x1xbf16> to vector<1x1xf32>
    %convert_element_type3A_42 = arith.truncf %slice3A_19 : vector<1x1xf32> to vector<1x1xbf16>
    %convert_element_type3A_43 = arith.extf %convert_element_type3A_42 : vector<1x1xbf16> to vector<1x1xf32>
    %convert_element_type3A_44 = arith.truncf %slice3A_20 : vector<1x1xf32> to vector<1x1xbf16>
    %convert_element_type3A_45 = arith.extf %convert_element_type3A_44 : vector<1x1xbf16> to vector<1x1xf32>
    %convert_element_type3A_46 = arith.truncf %slice3A_21 : vector<1x1xf32> to vector<1x1xbf16>
    %convert_element_type3A_47 = arith.extf %convert_element_type3A_46 : vector<1x1xbf16> to vector<1x1xf32>
    %convert_element_type3A_48 = arith.truncf %slice3A_22 : vector<1x1xf32> to vector<1x1xbf16>
    %convert_element_type3A_49 = arith.extf %convert_element_type3A_48 : vector<1x1xbf16> to vector<1x1xf32>
    %convert_element_type3A_50 = arith.truncf %slice3A_23 : vector<1x1xf32> to vector<1x1xbf16>
    %convert_element_type3A_51 = arith.extf %convert_element_type3A_50 : vector<1x1xbf16> to vector<1x1xf32>
    %convert_element_type3A_52 = arith.truncf %slice3A_24 : vector<1x1xf32> to vector<1x1xbf16>
    %convert_element_type3A_53 = arith.extf %convert_element_type3A_52 : vector<1x1xbf16> to vector<1x1xf32>
    %mul3A = vector.broadcast %convert_element_type3A_37 : vector<1x1xf32> to vector<1x2048xf32>
    %mul3A_54 = arith.mulf %convert_element_type3A_31, %mul3A : vector<1x2048xf32>
    %mul3A_55 = vector.broadcast %convert_element_type3A_39 : vector<1x1xf32> to vector<1x2048xf32>
    %mul3A_56 = arith.mulf %convert_element_type3A_33, %mul3A_55 : vector<1x2048xf32>
    %add3A = arith.addf %mul3A_54, %mul3A_56 : vector<1x2048xf32>
    %mul3A_57 = vector.broadcast %convert_element_type3A_41 : vector<1x1xf32> to vector<1x2048xf32>
    %mul3A_58 = arith.mulf %convert_element_type3A_35, %mul3A_57 : vector<1x2048xf32>
    %add3A_59 = arith.addf %add3A, %mul3A_58 : vector<1x2048xf32>
    %add3A_60 = vector.broadcast %slice3A_25 : vector<1x1xf32> to vector<1x2048xf32>
    %add3A_61 = arith.addf %add3A_59, %add3A_60 : vector<1x2048xf32>
    %mul3A_62 = vector.broadcast %convert_element_type3A_43 : vector<1x1xf32> to vector<1x2048xf32>
    %mul3A_63 = arith.mulf %convert_element_type3A_31, %mul3A_62 : vector<1x2048xf32>
    %mul3A_64 = vector.broadcast %convert_element_type3A_45 : vector<1x1xf32> to vector<1x2048xf32>
    %mul3A_65 = arith.mulf %convert_element_type3A_33, %mul3A_64 : vector<1x2048xf32>
    %add3A_66 = arith.addf %mul3A_63, %mul3A_65 : vector<1x2048xf32>
    %mul3A_67 = vector.broadcast %convert_element_type3A_47 : vector<1x1xf32> to vector<1x2048xf32>
    %mul3A_68 = arith.mulf %convert_element_type3A_35, %mul3A_67 : vector<1x2048xf32>
    %add3A_69 = arith.addf %add3A_66, %mul3A_68 : vector<1x2048xf32>
    %add3A_70 = vector.broadcast %slice3A_26 : vector<1x1xf32> to vector<1x2048xf32>
    %add3A_71 = arith.addf %add3A_69, %add3A_70 : vector<1x2048xf32>
    %mul3A_72 = vector.broadcast %convert_element_type3A_49 : vector<1x1xf32> to vector<1x2048xf32>
    %mul3A_73 = arith.mulf %convert_element_type3A_31, %mul3A_72 : vector<1x2048xf32>
    %mul3A_74 = vector.broadcast %convert_element_type3A_51 : vector<1x1xf32> to vector<1x2048xf32>
    %mul3A_75 = arith.mulf %convert_element_type3A_33, %mul3A_74 : vector<1x2048xf32>
    %add3A_76 = arith.addf %mul3A_73, %mul3A_75 : vector<1x2048xf32>
    %mul3A_77 = vector.broadcast %convert_element_type3A_53 : vector<1x1xf32> to vector<1x2048xf32>
    %mul3A_78 = arith.mulf %convert_element_type3A_35, %mul3A_77 : vector<1x2048xf32>
    %add3A_79 = arith.addf %add3A_76, %mul3A_78 : vector<1x2048xf32>
    %add3A_80 = vector.broadcast %slice3A_27 : vector<1x1xf32> to vector<1x2048xf32>
    %add3A_81 = arith.addf %add3A_79, %add3A_80 : vector<1x2048xf32>
    %gt3A = arith.constant 2.000000e-01 : f32
    %gt3A_82 = vector.broadcast %gt3A : f32 to vector<1x2048xf32>
    %gt3A_83 = arith.cmpf ogt, %add3A_81, %gt3A_82 : vector<1x2048xf32>
    %gt3A_84 = arith.constant 5.000000e-01 : f32
    %gt3A_85 = vector.broadcast %gt3A_84 : f32 to vector<1x2048xf32>
    %gt3A_86 = arith.cmpf ogt, %slice3A_15, %gt3A_85 : vector<1x2048xf32>
    %and3A = arith.andi %gt3A_83, %gt3A_86 : vector<1x2048xi1>
    %jit3A = arith.constant 1.000000e+00 : f32
    %jit3A_87 = arith.constant 0.000000e+00 : f32
    %broadcast_in_dim3A = vector.broadcast %jit3A : f32 to vector<1x2048xf32>
    %broadcast_in_dim3A_88 = vector.broadcast %jit3A_87 : f32 to vector<1x2048xf32>
    %select_n3A = arith.select %and3A, %broadcast_in_dim3A, %broadcast_in_dim3A_88 : vector<1x2048xi1>, vector<1x2048xf32>
    %max3A = arith.constant 2.000000e-01 : f32
    %max3A_89 = vector.broadcast %max3A : f32 to vector<1x2048xf32>
    %max3A_90 = arith.maximumf %add3A_81, %max3A_89 : vector<1x2048xf32>
    %mul3A_91 = arith.constant 2.200000e+02 : f32
    %mul3A_92 = vector.broadcast %mul3A_91 : f32 to vector<1x2048xf32>
    %mul3A_93 = arith.mulf %mul3A_92, %add3A_61 : vector<1x2048xf32>
    %div3A = arith.divf %mul3A_93, %max3A_90 : vector<1x2048xf32>
    %add3A_94 = arith.constant 1.280000e+02 : f32
    %add3A_95 = vector.broadcast %add3A_94 : f32 to vector<1x2048xf32>
    %add3A_96 = arith.addf %div3A, %add3A_95 : vector<1x2048xf32>
    %mul3A_97 = arith.constant 2.200000e+02 : f32
    %mul3A_98 = vector.broadcast %mul3A_97 : f32 to vector<1x2048xf32>
    %mul3A_99 = arith.mulf %mul3A_98, %add3A_71 : vector<1x2048xf32>
    %div3A_100 = arith.divf %mul3A_99, %max3A_90 : vector<1x2048xf32>
    %add3A_101 = arith.constant 1.280000e+02 : f32
    %add3A_102 = vector.broadcast %add3A_101 : f32 to vector<1x2048xf32>
    %add3A_103 = arith.addf %div3A_100, %add3A_102 : vector<1x2048xf32>
    %mul3A_104 = arith.mulf %slice3A_10, %slice3A_10 : vector<1x2048xf32>
    %mul3A_105 = arith.mulf %slice3A_11, %slice3A_11 : vector<1x2048xf32>
    %add3A_106 = arith.addf %mul3A_104, %mul3A_105 : vector<1x2048xf32>
    %mul3A_107 = arith.mulf %slice3A_12, %slice3A_12 : vector<1x2048xf32>
    %add3A_108 = arith.addf %add3A_106, %mul3A_107 : vector<1x2048xf32>
    %mul3A_109 = arith.mulf %slice3A_13, %slice3A_13 : vector<1x2048xf32>
    %add3A_110 = arith.addf %add3A_108, %mul3A_109 : vector<1x2048xf32>
    %sqrt3A = math.sqrt %add3A_110 : vector<1x2048xf32>
    %add3A_111 = arith.constant 9.99999993E-9 : f32
    %add3A_112 = vector.broadcast %add3A_111 : f32 to vector<1x2048xf32>
    %add3A_113 = arith.addf %sqrt3A, %add3A_112 : vector<1x2048xf32>
    %div3A_114 = arith.divf %slice3A_10, %add3A_113 : vector<1x2048xf32>
    %div3A_115 = arith.divf %slice3A_11, %add3A_113 : vector<1x2048xf32>
    %div3A_116 = arith.divf %slice3A_12, %add3A_113 : vector<1x2048xf32>
    %div3A_117 = arith.divf %slice3A_13, %add3A_113 : vector<1x2048xf32>
    %mul3A_118 = arith.mulf %div3A_116, %div3A_116 : vector<1x2048xf32>
    %mul3A_119 = arith.mulf %div3A_117, %div3A_117 : vector<1x2048xf32>
    %add3A_120 = arith.addf %mul3A_118, %mul3A_119 : vector<1x2048xf32>
    %mul3A_121 = arith.constant 2.000000e+00 : f32
    %mul3A_122 = vector.broadcast %mul3A_121 : f32 to vector<1x2048xf32>
    %mul3A_123 = arith.mulf %mul3A_122, %add3A_120 : vector<1x2048xf32>
    %sub3A = arith.constant 1.000000e+00 : f32
    %sub3A_124 = vector.broadcast %sub3A : f32 to vector<1x2048xf32>
    %sub3A_125 = arith.subf %sub3A_124, %mul3A_123 : vector<1x2048xf32>
    %mul3A_126 = arith.mulf %div3A_115, %div3A_116 : vector<1x2048xf32>
    %mul3A_127 = arith.mulf %div3A_114, %div3A_117 : vector<1x2048xf32>
    %sub3A_128 = arith.subf %mul3A_126, %mul3A_127 : vector<1x2048xf32>
    %mul3A_129 = arith.constant 2.000000e+00 : f32
    %mul3A_130 = vector.broadcast %mul3A_129 : f32 to vector<1x2048xf32>
    %mul3A_131 = arith.mulf %mul3A_130, %sub3A_128 : vector<1x2048xf32>
    %mul3A_132 = arith.mulf %div3A_115, %div3A_117 : vector<1x2048xf32>
    %mul3A_133 = arith.mulf %div3A_114, %div3A_116 : vector<1x2048xf32>
    %add3A_134 = arith.addf %mul3A_132, %mul3A_133 : vector<1x2048xf32>
    %mul3A_135 = arith.constant 2.000000e+00 : f32
    %mul3A_136 = vector.broadcast %mul3A_135 : f32 to vector<1x2048xf32>
    %mul3A_137 = arith.mulf %mul3A_136, %add3A_134 : vector<1x2048xf32>
    %mul3A_138 = arith.mulf %div3A_115, %div3A_116 : vector<1x2048xf32>
    %mul3A_139 = arith.mulf %div3A_114, %div3A_117 : vector<1x2048xf32>
    %add3A_140 = arith.addf %mul3A_138, %mul3A_139 : vector<1x2048xf32>
    %mul3A_141 = arith.constant 2.000000e+00 : f32
    %mul3A_142 = vector.broadcast %mul3A_141 : f32 to vector<1x2048xf32>
    %mul3A_143 = arith.mulf %mul3A_142, %add3A_140 : vector<1x2048xf32>
    %mul3A_144 = arith.mulf %div3A_115, %div3A_115 : vector<1x2048xf32>
    %mul3A_145 = arith.mulf %div3A_117, %div3A_117 : vector<1x2048xf32>
    %add3A_146 = arith.addf %mul3A_144, %mul3A_145 : vector<1x2048xf32>
    %mul3A_147 = arith.constant 2.000000e+00 : f32
    %mul3A_148 = vector.broadcast %mul3A_147 : f32 to vector<1x2048xf32>
    %mul3A_149 = arith.mulf %mul3A_148, %add3A_146 : vector<1x2048xf32>
    %sub3A_150 = arith.constant 1.000000e+00 : f32
    %sub3A_151 = vector.broadcast %sub3A_150 : f32 to vector<1x2048xf32>
    %sub3A_152 = arith.subf %sub3A_151, %mul3A_149 : vector<1x2048xf32>
    %mul3A_153 = arith.mulf %div3A_116, %div3A_117 : vector<1x2048xf32>
    %mul3A_154 = arith.mulf %div3A_114, %div3A_115 : vector<1x2048xf32>
    %sub3A_155 = arith.subf %mul3A_153, %mul3A_154 : vector<1x2048xf32>
    %mul3A_156 = arith.constant 2.000000e+00 : f32
    %mul3A_157 = vector.broadcast %mul3A_156 : f32 to vector<1x2048xf32>
    %mul3A_158 = arith.mulf %mul3A_157, %sub3A_155 : vector<1x2048xf32>
    %mul3A_159 = arith.mulf %div3A_115, %div3A_117 : vector<1x2048xf32>
    %mul3A_160 = arith.mulf %div3A_114, %div3A_116 : vector<1x2048xf32>
    %sub3A_161 = arith.subf %mul3A_159, %mul3A_160 : vector<1x2048xf32>
    %mul3A_162 = arith.constant 2.000000e+00 : f32
    %mul3A_163 = vector.broadcast %mul3A_162 : f32 to vector<1x2048xf32>
    %mul3A_164 = arith.mulf %mul3A_163, %sub3A_161 : vector<1x2048xf32>
    %mul3A_165 = arith.mulf %div3A_116, %div3A_117 : vector<1x2048xf32>
    %mul3A_166 = arith.mulf %div3A_114, %div3A_115 : vector<1x2048xf32>
    %add3A_167 = arith.addf %mul3A_165, %mul3A_166 : vector<1x2048xf32>
    %mul3A_168 = arith.constant 2.000000e+00 : f32
    %mul3A_169 = vector.broadcast %mul3A_168 : f32 to vector<1x2048xf32>
    %mul3A_170 = arith.mulf %mul3A_169, %add3A_167 : vector<1x2048xf32>
    %mul3A_171 = arith.mulf %div3A_115, %div3A_115 : vector<1x2048xf32>
    %mul3A_172 = arith.mulf %div3A_116, %div3A_116 : vector<1x2048xf32>
    %add3A_173 = arith.addf %mul3A_171, %mul3A_172 : vector<1x2048xf32>
    %mul3A_174 = arith.constant 2.000000e+00 : f32
    %mul3A_175 = vector.broadcast %mul3A_174 : f32 to vector<1x2048xf32>
    %mul3A_176 = arith.mulf %mul3A_175, %add3A_173 : vector<1x2048xf32>
    %sub3A_177 = arith.constant 1.000000e+00 : f32
    %sub3A_178 = vector.broadcast %sub3A_177 : f32 to vector<1x2048xf32>
    %sub3A_179 = arith.subf %sub3A_178, %mul3A_176 : vector<1x2048xf32>
    %mul3A_180 = arith.mulf %sub3A_125, %slice3A_7 : vector<1x2048xf32>
    %convert_element_type3A_181 = arith.truncf %mul3A_180 : vector<1x2048xf32> to vector<1x2048xbf16>
    %convert_element_type3A_182 = arith.extf %convert_element_type3A_181 : vector<1x2048xbf16> to vector<1x2048xf32>
    %mul3A_183 = arith.mulf %mul3A_131, %slice3A_8 : vector<1x2048xf32>
    %convert_element_type3A_184 = arith.truncf %mul3A_183 : vector<1x2048xf32> to vector<1x2048xbf16>
    %convert_element_type3A_185 = arith.extf %convert_element_type3A_184 : vector<1x2048xbf16> to vector<1x2048xf32>
    %mul3A_186 = arith.mulf %mul3A_137, %slice3A_9 : vector<1x2048xf32>
    %convert_element_type3A_187 = arith.truncf %mul3A_186 : vector<1x2048xf32> to vector<1x2048xbf16>
    %convert_element_type3A_188 = arith.extf %convert_element_type3A_187 : vector<1x2048xbf16> to vector<1x2048xf32>
    %mul3A_189 = arith.mulf %mul3A_143, %slice3A_7 : vector<1x2048xf32>
    %convert_element_type3A_190 = arith.truncf %mul3A_189 : vector<1x2048xf32> to vector<1x2048xbf16>
    %convert_element_type3A_191 = arith.extf %convert_element_type3A_190 : vector<1x2048xbf16> to vector<1x2048xf32>
    %mul3A_192 = arith.mulf %sub3A_152, %slice3A_8 : vector<1x2048xf32>
    %convert_element_type3A_193 = arith.truncf %mul3A_192 : vector<1x2048xf32> to vector<1x2048xbf16>
    %convert_element_type3A_194 = arith.extf %convert_element_type3A_193 : vector<1x2048xbf16> to vector<1x2048xf32>
    %mul3A_195 = arith.mulf %mul3A_158, %slice3A_9 : vector<1x2048xf32>
    %convert_element_type3A_196 = arith.truncf %mul3A_195 : vector<1x2048xf32> to vector<1x2048xbf16>
    %convert_element_type3A_197 = arith.extf %convert_element_type3A_196 : vector<1x2048xbf16> to vector<1x2048xf32>
    %mul3A_198 = arith.mulf %mul3A_164, %slice3A_7 : vector<1x2048xf32>
    %convert_element_type3A_199 = arith.truncf %mul3A_198 : vector<1x2048xf32> to vector<1x2048xbf16>
    %convert_element_type3A_200 = arith.extf %convert_element_type3A_199 : vector<1x2048xbf16> to vector<1x2048xf32>
    %mul3A_201 = arith.mulf %mul3A_170, %slice3A_8 : vector<1x2048xf32>
    %convert_element_type3A_202 = arith.truncf %mul3A_201 : vector<1x2048xf32> to vector<1x2048xbf16>
    %convert_element_type3A_203 = arith.extf %convert_element_type3A_202 : vector<1x2048xbf16> to vector<1x2048xf32>
    %mul3A_204 = arith.mulf %sub3A_179, %slice3A_9 : vector<1x2048xf32>
    %convert_element_type3A_205 = arith.truncf %mul3A_204 : vector<1x2048xf32> to vector<1x2048xbf16>
    %convert_element_type3A_206 = arith.extf %convert_element_type3A_205 : vector<1x2048xbf16> to vector<1x2048xf32>
    %mul3A_207 = arith.mulf %convert_element_type3A_182, %convert_element_type3A_182 : vector<1x2048xf32>
    %mul3A_208 = arith.mulf %convert_element_type3A_185, %convert_element_type3A_185 : vector<1x2048xf32>
    %add3A_209 = arith.addf %mul3A_207, %mul3A_208 : vector<1x2048xf32>
    %mul3A_210 = arith.mulf %convert_element_type3A_188, %convert_element_type3A_188 : vector<1x2048xf32>
    %add3A_211 = arith.addf %add3A_209, %mul3A_210 : vector<1x2048xf32>
    %mul3A_212 = arith.mulf %convert_element_type3A_182, %convert_element_type3A_191 : vector<1x2048xf32>
    %mul3A_213 = arith.mulf %convert_element_type3A_185, %convert_element_type3A_194 : vector<1x2048xf32>
    %add3A_214 = arith.addf %mul3A_212, %mul3A_213 : vector<1x2048xf32>
    %mul3A_215 = arith.mulf %convert_element_type3A_188, %convert_element_type3A_197 : vector<1x2048xf32>
    %add3A_216 = arith.addf %add3A_214, %mul3A_215 : vector<1x2048xf32>
    %mul3A_217 = arith.mulf %convert_element_type3A_182, %convert_element_type3A_200 : vector<1x2048xf32>
    %mul3A_218 = arith.mulf %convert_element_type3A_185, %convert_element_type3A_203 : vector<1x2048xf32>
    %add3A_219 = arith.addf %mul3A_217, %mul3A_218 : vector<1x2048xf32>
    %mul3A_220 = arith.mulf %convert_element_type3A_188, %convert_element_type3A_206 : vector<1x2048xf32>
    %add3A_221 = arith.addf %add3A_219, %mul3A_220 : vector<1x2048xf32>
    %mul3A_222 = arith.mulf %convert_element_type3A_191, %convert_element_type3A_182 : vector<1x2048xf32>
    %mul3A_223 = arith.mulf %convert_element_type3A_194, %convert_element_type3A_185 : vector<1x2048xf32>
    %add3A_224 = arith.addf %mul3A_222, %mul3A_223 : vector<1x2048xf32>
    %mul3A_225 = arith.mulf %convert_element_type3A_197, %convert_element_type3A_188 : vector<1x2048xf32>
    %add3A_226 = arith.addf %add3A_224, %mul3A_225 : vector<1x2048xf32>
    %mul3A_227 = arith.mulf %convert_element_type3A_191, %convert_element_type3A_191 : vector<1x2048xf32>
    %mul3A_228 = arith.mulf %convert_element_type3A_194, %convert_element_type3A_194 : vector<1x2048xf32>
    %add3A_229 = arith.addf %mul3A_227, %mul3A_228 : vector<1x2048xf32>
    %mul3A_230 = arith.mulf %convert_element_type3A_197, %convert_element_type3A_197 : vector<1x2048xf32>
    %add3A_231 = arith.addf %add3A_229, %mul3A_230 : vector<1x2048xf32>
    %mul3A_232 = arith.mulf %convert_element_type3A_191, %convert_element_type3A_200 : vector<1x2048xf32>
    %mul3A_233 = arith.mulf %convert_element_type3A_194, %convert_element_type3A_203 : vector<1x2048xf32>
    %add3A_234 = arith.addf %mul3A_232, %mul3A_233 : vector<1x2048xf32>
    %mul3A_235 = arith.mulf %convert_element_type3A_197, %convert_element_type3A_206 : vector<1x2048xf32>
    %add3A_236 = arith.addf %add3A_234, %mul3A_235 : vector<1x2048xf32>
    %mul3A_237 = arith.mulf %convert_element_type3A_200, %convert_element_type3A_182 : vector<1x2048xf32>
    %mul3A_238 = arith.mulf %convert_element_type3A_203, %convert_element_type3A_185 : vector<1x2048xf32>
    %add3A_239 = arith.addf %mul3A_237, %mul3A_238 : vector<1x2048xf32>
    %mul3A_240 = arith.mulf %convert_element_type3A_206, %convert_element_type3A_188 : vector<1x2048xf32>
    %add3A_241 = arith.addf %add3A_239, %mul3A_240 : vector<1x2048xf32>
    %mul3A_242 = arith.mulf %convert_element_type3A_200, %convert_element_type3A_191 : vector<1x2048xf32>
    %mul3A_243 = arith.mulf %convert_element_type3A_203, %convert_element_type3A_194 : vector<1x2048xf32>
    %add3A_244 = arith.addf %mul3A_242, %mul3A_243 : vector<1x2048xf32>
    %mul3A_245 = arith.mulf %convert_element_type3A_206, %convert_element_type3A_197 : vector<1x2048xf32>
    %add3A_246 = arith.addf %add3A_244, %mul3A_245 : vector<1x2048xf32>
    %mul3A_247 = arith.mulf %convert_element_type3A_200, %convert_element_type3A_200 : vector<1x2048xf32>
    %mul3A_248 = arith.mulf %convert_element_type3A_203, %convert_element_type3A_203 : vector<1x2048xf32>
    %add3A_249 = arith.addf %mul3A_247, %mul3A_248 : vector<1x2048xf32>
    %mul3A_250 = arith.mulf %convert_element_type3A_206, %convert_element_type3A_206 : vector<1x2048xf32>
    %add3A_251 = arith.addf %add3A_249, %mul3A_250 : vector<1x2048xf32>
    %mul3A_252 = arith.mulf %max3A_90, %max3A_90 : vector<1x2048xf32>
    %div3A_253 = arith.constant 2.200000e+02 : f32
    %div3A_254 = vector.broadcast %div3A_253 : f32 to vector<1x2048xf32>
    %div3A_255 = arith.divf %div3A_254, %max3A_90 : vector<1x2048xf32>
    %convert_element_type3A_256 = arith.truncf %div3A_255 : vector<1x2048xf32> to vector<1x2048xbf16>
    %convert_element_type3A_257 = arith.extf %convert_element_type3A_256 : vector<1x2048xbf16> to vector<1x2048xf32>
    %mul3A_258 = arith.constant -2.200000e+02 : f32
    %mul3A_259 = vector.broadcast %mul3A_258 : f32 to vector<1x2048xf32>
    %mul3A_260 = arith.mulf %mul3A_259, %add3A_61 : vector<1x2048xf32>
    %div3A_261 = arith.divf %mul3A_260, %mul3A_252 : vector<1x2048xf32>
    %convert_element_type3A_262 = arith.truncf %div3A_261 : vector<1x2048xf32> to vector<1x2048xbf16>
    %convert_element_type3A_263 = arith.extf %convert_element_type3A_262 : vector<1x2048xbf16> to vector<1x2048xf32>
    %div3A_264 = arith.constant 2.200000e+02 : f32
    %div3A_265 = vector.broadcast %div3A_264 : f32 to vector<1x2048xf32>
    %div3A_266 = arith.divf %div3A_265, %max3A_90 : vector<1x2048xf32>
    %convert_element_type3A_267 = arith.truncf %div3A_266 : vector<1x2048xf32> to vector<1x2048xbf16>
    %convert_element_type3A_268 = arith.extf %convert_element_type3A_267 : vector<1x2048xbf16> to vector<1x2048xf32>
    %mul3A_269 = arith.constant -2.200000e+02 : f32
    %mul3A_270 = vector.broadcast %mul3A_269 : f32 to vector<1x2048xf32>
    %mul3A_271 = arith.mulf %mul3A_270, %add3A_71 : vector<1x2048xf32>
    %div3A_272 = arith.divf %mul3A_271, %mul3A_252 : vector<1x2048xf32>
    %convert_element_type3A_273 = arith.truncf %div3A_272 : vector<1x2048xf32> to vector<1x2048xbf16>
    %convert_element_type3A_274 = arith.extf %convert_element_type3A_273 : vector<1x2048xbf16> to vector<1x2048xf32>
    %mul3A_275 = vector.broadcast %convert_element_type3A_37 : vector<1x1xf32> to vector<1x2048xf32>
    %mul3A_276 = arith.mulf %convert_element_type3A_257, %mul3A_275 : vector<1x2048xf32>
    %mul3A_277 = vector.broadcast %convert_element_type3A_49 : vector<1x1xf32> to vector<1x2048xf32>
    %mul3A_278 = arith.mulf %convert_element_type3A_263, %mul3A_277 : vector<1x2048xf32>
    %add3A_279 = arith.addf %mul3A_276, %mul3A_278 : vector<1x2048xf32>
    %mul3A_280 = vector.broadcast %convert_element_type3A_39 : vector<1x1xf32> to vector<1x2048xf32>
    %mul3A_281 = arith.mulf %convert_element_type3A_257, %mul3A_280 : vector<1x2048xf32>
    %mul3A_282 = vector.broadcast %convert_element_type3A_51 : vector<1x1xf32> to vector<1x2048xf32>
    %mul3A_283 = arith.mulf %convert_element_type3A_263, %mul3A_282 : vector<1x2048xf32>
    %add3A_284 = arith.addf %mul3A_281, %mul3A_283 : vector<1x2048xf32>
    %mul3A_285 = vector.broadcast %convert_element_type3A_41 : vector<1x1xf32> to vector<1x2048xf32>
    %mul3A_286 = arith.mulf %convert_element_type3A_257, %mul3A_285 : vector<1x2048xf32>
    %mul3A_287 = vector.broadcast %convert_element_type3A_53 : vector<1x1xf32> to vector<1x2048xf32>
    %mul3A_288 = arith.mulf %convert_element_type3A_263, %mul3A_287 : vector<1x2048xf32>
    %add3A_289 = arith.addf %mul3A_286, %mul3A_288 : vector<1x2048xf32>
    %mul3A_290 = vector.broadcast %convert_element_type3A_43 : vector<1x1xf32> to vector<1x2048xf32>
    %mul3A_291 = arith.mulf %convert_element_type3A_268, %mul3A_290 : vector<1x2048xf32>
    %mul3A_292 = vector.broadcast %convert_element_type3A_49 : vector<1x1xf32> to vector<1x2048xf32>
    %mul3A_293 = arith.mulf %convert_element_type3A_274, %mul3A_292 : vector<1x2048xf32>
    %add3A_294 = arith.addf %mul3A_291, %mul3A_293 : vector<1x2048xf32>
    %mul3A_295 = vector.broadcast %convert_element_type3A_45 : vector<1x1xf32> to vector<1x2048xf32>
    %mul3A_296 = arith.mulf %convert_element_type3A_268, %mul3A_295 : vector<1x2048xf32>
    %mul3A_297 = vector.broadcast %convert_element_type3A_51 : vector<1x1xf32> to vector<1x2048xf32>
    %mul3A_298 = arith.mulf %convert_element_type3A_274, %mul3A_297 : vector<1x2048xf32>
    %add3A_299 = arith.addf %mul3A_296, %mul3A_298 : vector<1x2048xf32>
    %mul3A_300 = vector.broadcast %convert_element_type3A_47 : vector<1x1xf32> to vector<1x2048xf32>
    %mul3A_301 = arith.mulf %convert_element_type3A_268, %mul3A_300 : vector<1x2048xf32>
    %mul3A_302 = vector.broadcast %convert_element_type3A_53 : vector<1x1xf32> to vector<1x2048xf32>
    %mul3A_303 = arith.mulf %convert_element_type3A_274, %mul3A_302 : vector<1x2048xf32>
    %add3A_304 = arith.addf %mul3A_301, %mul3A_303 : vector<1x2048xf32>
    %convert_element_type3A_305 = arith.truncf %add3A_279 : vector<1x2048xf32> to vector<1x2048xbf16>
    %convert_element_type3A_306 = arith.extf %convert_element_type3A_305 : vector<1x2048xbf16> to vector<1x2048xf32>
    %convert_element_type3A_307 = arith.truncf %add3A_284 : vector<1x2048xf32> to vector<1x2048xbf16>
    %convert_element_type3A_308 = arith.extf %convert_element_type3A_307 : vector<1x2048xbf16> to vector<1x2048xf32>
    %convert_element_type3A_309 = arith.truncf %add3A_289 : vector<1x2048xf32> to vector<1x2048xbf16>
    %convert_element_type3A_310 = arith.extf %convert_element_type3A_309 : vector<1x2048xbf16> to vector<1x2048xf32>
    %convert_element_type3A_311 = arith.truncf %add3A_294 : vector<1x2048xf32> to vector<1x2048xbf16>
    %convert_element_type3A_312 = arith.extf %convert_element_type3A_311 : vector<1x2048xbf16> to vector<1x2048xf32>
    %convert_element_type3A_313 = arith.truncf %add3A_299 : vector<1x2048xf32> to vector<1x2048xbf16>
    %convert_element_type3A_314 = arith.extf %convert_element_type3A_313 : vector<1x2048xbf16> to vector<1x2048xf32>
    %convert_element_type3A_315 = arith.truncf %add3A_304 : vector<1x2048xf32> to vector<1x2048xbf16>
    %convert_element_type3A_316 = arith.extf %convert_element_type3A_315 : vector<1x2048xbf16> to vector<1x2048xf32>
    %convert_element_type3A_317 = arith.truncf %add3A_211 : vector<1x2048xf32> to vector<1x2048xbf16>
    %convert_element_type3A_318 = arith.extf %convert_element_type3A_317 : vector<1x2048xbf16> to vector<1x2048xf32>
    %convert_element_type3A_319 = arith.truncf %add3A_216 : vector<1x2048xf32> to vector<1x2048xbf16>
    %convert_element_type3A_320 = arith.extf %convert_element_type3A_319 : vector<1x2048xbf16> to vector<1x2048xf32>
    %convert_element_type3A_321 = arith.truncf %add3A_221 : vector<1x2048xf32> to vector<1x2048xbf16>
    %convert_element_type3A_322 = arith.extf %convert_element_type3A_321 : vector<1x2048xbf16> to vector<1x2048xf32>
    %convert_element_type3A_323 = arith.truncf %add3A_226 : vector<1x2048xf32> to vector<1x2048xbf16>
    %convert_element_type3A_324 = arith.extf %convert_element_type3A_323 : vector<1x2048xbf16> to vector<1x2048xf32>
    %convert_element_type3A_325 = arith.truncf %add3A_231 : vector<1x2048xf32> to vector<1x2048xbf16>
    %convert_element_type3A_326 = arith.extf %convert_element_type3A_325 : vector<1x2048xbf16> to vector<1x2048xf32>
    %convert_element_type3A_327 = arith.truncf %add3A_236 : vector<1x2048xf32> to vector<1x2048xbf16>
    %convert_element_type3A_328 = arith.extf %convert_element_type3A_327 : vector<1x2048xbf16> to vector<1x2048xf32>
    %convert_element_type3A_329 = arith.truncf %add3A_241 : vector<1x2048xf32> to vector<1x2048xbf16>
    %convert_element_type3A_330 = arith.extf %convert_element_type3A_329 : vector<1x2048xbf16> to vector<1x2048xf32>
    %convert_element_type3A_331 = arith.truncf %add3A_246 : vector<1x2048xf32> to vector<1x2048xbf16>
    %convert_element_type3A_332 = arith.extf %convert_element_type3A_331 : vector<1x2048xbf16> to vector<1x2048xf32>
    %convert_element_type3A_333 = arith.truncf %add3A_251 : vector<1x2048xf32> to vector<1x2048xbf16>
    %convert_element_type3A_334 = arith.extf %convert_element_type3A_333 : vector<1x2048xbf16> to vector<1x2048xf32>
    %mul3A_335 = arith.mulf %convert_element_type3A_306, %convert_element_type3A_318 : vector<1x2048xf32>
    %mul3A_336 = arith.mulf %convert_element_type3A_308, %convert_element_type3A_324 : vector<1x2048xf32>
    %add3A_337 = arith.addf %mul3A_335, %mul3A_336 : vector<1x2048xf32>
    %mul3A_338 = arith.mulf %convert_element_type3A_310, %convert_element_type3A_330 : vector<1x2048xf32>
    %add3A_339 = arith.addf %add3A_337, %mul3A_338 : vector<1x2048xf32>
    %convert_element_type3A_340 = arith.truncf %add3A_339 : vector<1x2048xf32> to vector<1x2048xbf16>
    %convert_element_type3A_341 = arith.extf %convert_element_type3A_340 : vector<1x2048xbf16> to vector<1x2048xf32>
    %mul3A_342 = arith.mulf %convert_element_type3A_306, %convert_element_type3A_320 : vector<1x2048xf32>
    %mul3A_343 = arith.mulf %convert_element_type3A_308, %convert_element_type3A_326 : vector<1x2048xf32>
    %add3A_344 = arith.addf %mul3A_342, %mul3A_343 : vector<1x2048xf32>
    %mul3A_345 = arith.mulf %convert_element_type3A_310, %convert_element_type3A_332 : vector<1x2048xf32>
    %add3A_346 = arith.addf %add3A_344, %mul3A_345 : vector<1x2048xf32>
    %convert_element_type3A_347 = arith.truncf %add3A_346 : vector<1x2048xf32> to vector<1x2048xbf16>
    %convert_element_type3A_348 = arith.extf %convert_element_type3A_347 : vector<1x2048xbf16> to vector<1x2048xf32>
    %mul3A_349 = arith.mulf %convert_element_type3A_306, %convert_element_type3A_322 : vector<1x2048xf32>
    %mul3A_350 = arith.mulf %convert_element_type3A_308, %convert_element_type3A_328 : vector<1x2048xf32>
    %add3A_351 = arith.addf %mul3A_349, %mul3A_350 : vector<1x2048xf32>
    %mul3A_352 = arith.mulf %convert_element_type3A_310, %convert_element_type3A_334 : vector<1x2048xf32>
    %add3A_353 = arith.addf %add3A_351, %mul3A_352 : vector<1x2048xf32>
    %convert_element_type3A_354 = arith.truncf %add3A_353 : vector<1x2048xf32> to vector<1x2048xbf16>
    %convert_element_type3A_355 = arith.extf %convert_element_type3A_354 : vector<1x2048xbf16> to vector<1x2048xf32>
    %mul3A_356 = arith.mulf %convert_element_type3A_312, %convert_element_type3A_318 : vector<1x2048xf32>
    %mul3A_357 = arith.mulf %convert_element_type3A_314, %convert_element_type3A_324 : vector<1x2048xf32>
    %add3A_358 = arith.addf %mul3A_356, %mul3A_357 : vector<1x2048xf32>
    %mul3A_359 = arith.mulf %convert_element_type3A_316, %convert_element_type3A_330 : vector<1x2048xf32>
    %add3A_360 = arith.addf %add3A_358, %mul3A_359 : vector<1x2048xf32>
    %convert_element_type3A_361 = arith.truncf %add3A_360 : vector<1x2048xf32> to vector<1x2048xbf16>
    %convert_element_type3A_362 = arith.extf %convert_element_type3A_361 : vector<1x2048xbf16> to vector<1x2048xf32>
    %mul3A_363 = arith.mulf %convert_element_type3A_312, %convert_element_type3A_320 : vector<1x2048xf32>
    %mul3A_364 = arith.mulf %convert_element_type3A_314, %convert_element_type3A_326 : vector<1x2048xf32>
    %add3A_365 = arith.addf %mul3A_363, %mul3A_364 : vector<1x2048xf32>
    %mul3A_366 = arith.mulf %convert_element_type3A_316, %convert_element_type3A_332 : vector<1x2048xf32>
    %add3A_367 = arith.addf %add3A_365, %mul3A_366 : vector<1x2048xf32>
    %convert_element_type3A_368 = arith.truncf %add3A_367 : vector<1x2048xf32> to vector<1x2048xbf16>
    %convert_element_type3A_369 = arith.extf %convert_element_type3A_368 : vector<1x2048xbf16> to vector<1x2048xf32>
    %mul3A_370 = arith.mulf %convert_element_type3A_312, %convert_element_type3A_322 : vector<1x2048xf32>
    %mul3A_371 = arith.mulf %convert_element_type3A_314, %convert_element_type3A_328 : vector<1x2048xf32>
    %add3A_372 = arith.addf %mul3A_370, %mul3A_371 : vector<1x2048xf32>
    %mul3A_373 = arith.mulf %convert_element_type3A_316, %convert_element_type3A_334 : vector<1x2048xf32>
    %add3A_374 = arith.addf %add3A_372, %mul3A_373 : vector<1x2048xf32>
    %convert_element_type3A_375 = arith.truncf %add3A_374 : vector<1x2048xf32> to vector<1x2048xbf16>
    %convert_element_type3A_376 = arith.extf %convert_element_type3A_375 : vector<1x2048xbf16> to vector<1x2048xf32>
    %mul3A_377 = arith.mulf %convert_element_type3A_341, %convert_element_type3A_306 : vector<1x2048xf32>
    %mul3A_378 = arith.mulf %convert_element_type3A_348, %convert_element_type3A_308 : vector<1x2048xf32>
    %add3A_379 = arith.addf %mul3A_377, %mul3A_378 : vector<1x2048xf32>
    %mul3A_380 = arith.mulf %convert_element_type3A_355, %convert_element_type3A_310 : vector<1x2048xf32>
    %add3A_381 = arith.addf %add3A_379, %mul3A_380 : vector<1x2048xf32>
    %add3A_382 = arith.constant 3.000000e-01 : f32
    %add3A_383 = vector.broadcast %add3A_382 : f32 to vector<1x2048xf32>
    %add3A_384 = arith.addf %add3A_381, %add3A_383 : vector<1x2048xf32>
    %mul3A_385 = arith.mulf %convert_element_type3A_341, %convert_element_type3A_312 : vector<1x2048xf32>
    %mul3A_386 = arith.mulf %convert_element_type3A_348, %convert_element_type3A_314 : vector<1x2048xf32>
    %add3A_387 = arith.addf %mul3A_385, %mul3A_386 : vector<1x2048xf32>
    %mul3A_388 = arith.mulf %convert_element_type3A_355, %convert_element_type3A_316 : vector<1x2048xf32>
    %add3A_389 = arith.addf %add3A_387, %mul3A_388 : vector<1x2048xf32>
    %mul3A_390 = arith.mulf %convert_element_type3A_362, %convert_element_type3A_306 : vector<1x2048xf32>
    %mul3A_391 = arith.mulf %convert_element_type3A_369, %convert_element_type3A_308 : vector<1x2048xf32>
    %add3A_392 = arith.addf %mul3A_390, %mul3A_391 : vector<1x2048xf32>
    %mul3A_393 = arith.mulf %convert_element_type3A_376, %convert_element_type3A_310 : vector<1x2048xf32>
    %add3A_394 = arith.addf %add3A_392, %mul3A_393 : vector<1x2048xf32>
    %mul3A_395 = arith.mulf %convert_element_type3A_362, %convert_element_type3A_312 : vector<1x2048xf32>
    %mul3A_396 = arith.mulf %convert_element_type3A_369, %convert_element_type3A_314 : vector<1x2048xf32>
    %add3A_397 = arith.addf %mul3A_395, %mul3A_396 : vector<1x2048xf32>
    %mul3A_398 = arith.mulf %convert_element_type3A_376, %convert_element_type3A_316 : vector<1x2048xf32>
    %add3A_399 = arith.addf %add3A_397, %mul3A_398 : vector<1x2048xf32>
    %add3A_400 = arith.constant 3.000000e-01 : f32
    %add3A_401 = vector.broadcast %add3A_400 : f32 to vector<1x2048xf32>
    %add3A_402 = arith.addf %add3A_399, %add3A_401 : vector<1x2048xf32>
    %add3A_403 = arith.addf %add3A_384, %add3A_402 : vector<1x2048xf32>
    %mul3A_404 = arith.mulf %add3A_384, %add3A_402 : vector<1x2048xf32>
    %mul3A_405 = arith.mulf %add3A_389, %add3A_394 : vector<1x2048xf32>
    %sub3A_406 = arith.subf %mul3A_404, %mul3A_405 : vector<1x2048xf32>
    %mul3A_407 = arith.mulf %add3A_403, %add3A_403 : vector<1x2048xf32>
    %mul3A_408 = arith.constant 4.000000e+00 : f32
    %mul3A_409 = vector.broadcast %mul3A_408 : f32 to vector<1x2048xf32>
    %mul3A_410 = arith.mulf %mul3A_409, %sub3A_406 : vector<1x2048xf32>
    %sub3A_411 = arith.subf %mul3A_407, %mul3A_410 : vector<1x2048xf32>
    %max3A_412 = arith.constant 9.99999996E-13 : f32
    %max3A_413 = vector.broadcast %max3A_412 : f32 to vector<1x2048xf32>
    %max3A_414 = arith.maximumf %sub3A_411, %max3A_413 : vector<1x2048xf32>
    %sqrt3A_415 = math.sqrt %max3A_414 : vector<1x2048xf32>
    %mul3A_416 = arith.constant 5.000000e-01 : f32
    %mul3A_417 = vector.broadcast %mul3A_416 : f32 to vector<1x2048xf32>
    %mul3A_418 = arith.mulf %mul3A_417, %sqrt3A_415 : vector<1x2048xf32>
    %mul3A_419 = arith.constant 5.000000e-01 : f32
    %mul3A_420 = vector.broadcast %mul3A_419 : f32 to vector<1x2048xf32>
    %mul3A_421 = arith.mulf %mul3A_420, %add3A_403 : vector<1x2048xf32>
    %sub3A_422 = arith.subf %mul3A_421, %mul3A_418 : vector<1x2048xf32>
    %add3A_423 = arith.addf %mul3A_421, %mul3A_418 : vector<1x2048xf32>
    %max3A_424 = arith.maximumf %sub3A_422, %add3A_423 : vector<1x2048xf32>
    %sqrt3A_425 = math.sqrt %max3A_424 : vector<1x2048xf32>
    %mul3A_426 = arith.constant 3.000000e+00 : f32
    %mul3A_427 = vector.broadcast %mul3A_426 : f32 to vector<1x2048xf32>
    %mul3A_428 = arith.mulf %mul3A_427, %sqrt3A_425 : vector<1x2048xf32>
    %div3A_429 = arith.divf %add3A_402, %sub3A_406 : vector<1x2048xf32>
    %neg3A = arith.constant 0.000000e+00 : f32
    %neg3A_430 = vector.broadcast %neg3A : f32 to vector<1x2048xf32>
    %neg3A_431 = arith.subf %neg3A_430, %add3A_389 : vector<1x2048xf32>
    %div3A_432 = arith.divf %neg3A_431, %sub3A_406 : vector<1x2048xf32>
    %neg3A_433 = arith.constant 0.000000e+00 : f32
    %neg3A_434 = vector.broadcast %neg3A_433 : f32 to vector<1x2048xf32>
    %neg3A_435 = arith.subf %neg3A_434, %add3A_394 : vector<1x2048xf32>
    %div3A_436 = arith.divf %neg3A_435, %sub3A_406 : vector<1x2048xf32>
    %add3A_437 = arith.addf %div3A_432, %div3A_436 : vector<1x2048xf32>
    %div3A_438 = arith.divf %add3A_384, %sub3A_406 : vector<1x2048xf32>
    %sub3A_439 = vector.broadcast %slice3A_28 : vector<1x1xf32> to vector<1x2048xf32>
    %sub3A_440 = arith.subf %slice3A, %sub3A_439 : vector<1x2048xf32>
    %sub3A_441 = vector.broadcast %slice3A_29 : vector<1x1xf32> to vector<1x2048xf32>
    %sub3A_442 = arith.subf %slice3A_5, %sub3A_441 : vector<1x2048xf32>
    %sub3A_443 = vector.broadcast %slice3A_30 : vector<1x1xf32> to vector<1x2048xf32>
    %sub3A_444 = arith.subf %slice3A_6, %sub3A_443 : vector<1x2048xf32>
    %mul3A_445 = arith.mulf %sub3A_440, %sub3A_440 : vector<1x2048xf32>
    %mul3A_446 = arith.mulf %sub3A_442, %sub3A_442 : vector<1x2048xf32>
    %add3A_447 = arith.addf %mul3A_445, %mul3A_446 : vector<1x2048xf32>
    %mul3A_448 = arith.mulf %sub3A_444, %sub3A_444 : vector<1x2048xf32>
    %add3A_449 = arith.addf %add3A_447, %mul3A_448 : vector<1x2048xf32>
    %sqrt3A_450 = math.sqrt %add3A_449 : vector<1x2048xf32>
    %add3A_451 = arith.constant 9.99999993E-9 : f32
    %add3A_452 = vector.broadcast %add3A_451 : f32 to vector<1x2048xf32>
    %add3A_453 = arith.addf %sqrt3A_450, %add3A_452 : vector<1x2048xf32>
    %div3A_454 = arith.divf %sub3A_440, %add3A_453 : vector<1x2048xf32>
    %div3A_455 = arith.divf %sub3A_442, %add3A_453 : vector<1x2048xf32>
    %div3A_456 = arith.divf %sub3A_444, %add3A_453 : vector<1x2048xf32>
    %mul3A_457 = arith.mulf %div3A_454, %div3A_454 : vector<1x2048xf32>
    %mul3A_458 = arith.mulf %div3A_455, %div3A_455 : vector<1x2048xf32>
    %mul3A_459 = arith.mulf %div3A_456, %div3A_456 : vector<1x2048xf32>
    %mul3A_460 = arith.mulf %div3A_454, %div3A_455 : vector<1x2048xf32>
    %mul3A_461 = arith.mulf %div3A_455, %div3A_456 : vector<1x2048xf32>
    %mul3A_462 = arith.mulf %div3A_454, %div3A_456 : vector<1x2048xf32>
    %mul3A_463 = arith.constant -0.488602519 : f32
    %mul3A_464 = vector.broadcast %mul3A_463 : f32 to vector<1x2048xf32>
    %mul3A_465 = arith.mulf %mul3A_464, %div3A_455 : vector<1x2048xf32>
    %mul3A_466 = arith.constant 0.488602519 : f32
    %mul3A_467 = vector.broadcast %mul3A_466 : f32 to vector<1x2048xf32>
    %mul3A_468 = arith.mulf %mul3A_467, %div3A_456 : vector<1x2048xf32>
    %mul3A_469 = arith.constant -0.488602519 : f32
    %mul3A_470 = vector.broadcast %mul3A_469 : f32 to vector<1x2048xf32>
    %mul3A_471 = arith.mulf %mul3A_470, %div3A_454 : vector<1x2048xf32>
    %mul3A_472 = arith.constant 1.09254849 : f32
    %mul3A_473 = vector.broadcast %mul3A_472 : f32 to vector<1x2048xf32>
    %mul3A_474 = arith.mulf %mul3A_473, %mul3A_460 : vector<1x2048xf32>
    %mul3A_475 = arith.constant -1.09254849 : f32
    %mul3A_476 = vector.broadcast %mul3A_475 : f32 to vector<1x2048xf32>
    %mul3A_477 = arith.mulf %mul3A_476, %mul3A_461 : vector<1x2048xf32>
    %mul3A_478 = arith.constant 2.000000e+00 : f32
    %mul3A_479 = vector.broadcast %mul3A_478 : f32 to vector<1x2048xf32>
    %mul3A_480 = arith.mulf %mul3A_479, %mul3A_459 : vector<1x2048xf32>
    %sub3A_481 = arith.subf %mul3A_480, %mul3A_457 : vector<1x2048xf32>
    %sub3A_482 = arith.subf %sub3A_481, %mul3A_458 : vector<1x2048xf32>
    %mul3A_483 = arith.constant 0.31539157 : f32
    %mul3A_484 = vector.broadcast %mul3A_483 : f32 to vector<1x2048xf32>
    %mul3A_485 = arith.mulf %mul3A_484, %sub3A_482 : vector<1x2048xf32>
    %mul3A_486 = arith.constant -1.09254849 : f32
    %mul3A_487 = vector.broadcast %mul3A_486 : f32 to vector<1x2048xf32>
    %mul3A_488 = arith.mulf %mul3A_487, %mul3A_462 : vector<1x2048xf32>
    %sub3A_489 = arith.subf %mul3A_457, %mul3A_458 : vector<1x2048xf32>
    %mul3A_490 = arith.constant 0.546274245 : f32
    %mul3A_491 = vector.broadcast %mul3A_490 : f32 to vector<1x2048xf32>
    %mul3A_492 = arith.mulf %mul3A_491, %sub3A_489 : vector<1x2048xf32>
    %mul3A_493 = arith.constant -0.590043604 : f32
    %mul3A_494 = vector.broadcast %mul3A_493 : f32 to vector<1x2048xf32>
    %mul3A_495 = arith.mulf %mul3A_494, %div3A_455 : vector<1x2048xf32>
    %mul3A_496 = arith.constant 3.000000e+00 : f32
    %mul3A_497 = vector.broadcast %mul3A_496 : f32 to vector<1x2048xf32>
    %mul3A_498 = arith.mulf %mul3A_497, %mul3A_457 : vector<1x2048xf32>
    %sub3A_499 = arith.subf %mul3A_498, %mul3A_458 : vector<1x2048xf32>
    %mul3A_500 = arith.mulf %mul3A_495, %sub3A_499 : vector<1x2048xf32>
    %mul3A_501 = arith.constant 2.89061141 : f32
    %mul3A_502 = vector.broadcast %mul3A_501 : f32 to vector<1x2048xf32>
    %mul3A_503 = arith.mulf %mul3A_502, %mul3A_460 : vector<1x2048xf32>
    %mul3A_504 = arith.mulf %mul3A_503, %div3A_456 : vector<1x2048xf32>
    %mul3A_505 = arith.constant -0.457045794 : f32
    %mul3A_506 = vector.broadcast %mul3A_505 : f32 to vector<1x2048xf32>
    %mul3A_507 = arith.mulf %mul3A_506, %div3A_455 : vector<1x2048xf32>
    %mul3A_508 = arith.constant 4.000000e+00 : f32
    %mul3A_509 = vector.broadcast %mul3A_508 : f32 to vector<1x2048xf32>
    %mul3A_510 = arith.mulf %mul3A_509, %mul3A_459 : vector<1x2048xf32>
    %sub3A_511 = arith.subf %mul3A_510, %mul3A_457 : vector<1x2048xf32>
    %sub3A_512 = arith.subf %sub3A_511, %mul3A_458 : vector<1x2048xf32>
    %mul3A_513 = arith.mulf %mul3A_507, %sub3A_512 : vector<1x2048xf32>
    %mul3A_514 = arith.constant 0.373176336 : f32
    %mul3A_515 = vector.broadcast %mul3A_514 : f32 to vector<1x2048xf32>
    %mul3A_516 = arith.mulf %mul3A_515, %div3A_456 : vector<1x2048xf32>
    %mul3A_517 = arith.constant 2.000000e+00 : f32
    %mul3A_518 = vector.broadcast %mul3A_517 : f32 to vector<1x2048xf32>
    %mul3A_519 = arith.mulf %mul3A_518, %mul3A_459 : vector<1x2048xf32>
    %mul3A_520 = arith.constant 3.000000e+00 : f32
    %mul3A_521 = vector.broadcast %mul3A_520 : f32 to vector<1x2048xf32>
    %mul3A_522 = arith.mulf %mul3A_521, %mul3A_457 : vector<1x2048xf32>
    %sub3A_523 = arith.subf %mul3A_519, %mul3A_522 : vector<1x2048xf32>
    %mul3A_524 = arith.constant 3.000000e+00 : f32
    %mul3A_525 = vector.broadcast %mul3A_524 : f32 to vector<1x2048xf32>
    %mul3A_526 = arith.mulf %mul3A_525, %mul3A_458 : vector<1x2048xf32>
    %sub3A_527 = arith.subf %sub3A_523, %mul3A_526 : vector<1x2048xf32>
    %mul3A_528 = arith.mulf %mul3A_516, %sub3A_527 : vector<1x2048xf32>
    %mul3A_529 = arith.constant -0.457045794 : f32
    %mul3A_530 = vector.broadcast %mul3A_529 : f32 to vector<1x2048xf32>
    %mul3A_531 = arith.mulf %mul3A_530, %div3A_454 : vector<1x2048xf32>
    %mul3A_532 = arith.constant 4.000000e+00 : f32
    %mul3A_533 = vector.broadcast %mul3A_532 : f32 to vector<1x2048xf32>
    %mul3A_534 = arith.mulf %mul3A_533, %mul3A_459 : vector<1x2048xf32>
    %sub3A_535 = arith.subf %mul3A_534, %mul3A_457 : vector<1x2048xf32>
    %sub3A_536 = arith.subf %sub3A_535, %mul3A_458 : vector<1x2048xf32>
    %mul3A_537 = arith.mulf %mul3A_531, %sub3A_536 : vector<1x2048xf32>
    %mul3A_538 = arith.constant 1.44530571 : f32
    %mul3A_539 = vector.broadcast %mul3A_538 : f32 to vector<1x2048xf32>
    %mul3A_540 = arith.mulf %mul3A_539, %div3A_456 : vector<1x2048xf32>
    %sub3A_541 = arith.subf %mul3A_457, %mul3A_458 : vector<1x2048xf32>
    %mul3A_542 = arith.mulf %mul3A_540, %sub3A_541 : vector<1x2048xf32>
    %mul3A_543 = arith.constant -0.590043604 : f32
    %mul3A_544 = vector.broadcast %mul3A_543 : f32 to vector<1x2048xf32>
    %mul3A_545 = arith.mulf %mul3A_544, %div3A_454 : vector<1x2048xf32>
    %mul3A_546 = arith.constant 3.000000e+00 : f32
    %mul3A_547 = vector.broadcast %mul3A_546 : f32 to vector<1x2048xf32>
    %mul3A_548 = arith.mulf %mul3A_547, %mul3A_458 : vector<1x2048xf32>
    %sub3A_549 = arith.subf %mul3A_457, %mul3A_548 : vector<1x2048xf32>
    %mul3A_550 = arith.mulf %mul3A_545, %sub3A_549 : vector<1x2048xf32>
    %slice3A_551 = vector.extract_strided_slice %get3A_1 {offsets = [12, 0], sizes = [1, 2048], strides = [1, 1]} : vector<64x2048xf32> to vector<1x2048xf32>
    %mul3A_552 = arith.constant 0.282094806 : f32
    %mul3A_553 = vector.broadcast %mul3A_552 : f32 to vector<1x2048xf32>
    %mul3A_554 = arith.mulf %mul3A_553, %slice3A_551 : vector<1x2048xf32>
    %slice3A_555 = vector.extract_strided_slice %get3A_1 {offsets = [15, 0], sizes = [1, 2048], strides = [1, 1]} : vector<64x2048xf32> to vector<1x2048xf32>
    %mul3A_556 = arith.mulf %mul3A_465, %slice3A_555 : vector<1x2048xf32>
    %add3A_557 = arith.addf %mul3A_554, %mul3A_556 : vector<1x2048xf32>
    %slice3A_558 = vector.extract_strided_slice %get3A_1 {offsets = [18, 0], sizes = [1, 2048], strides = [1, 1]} : vector<64x2048xf32> to vector<1x2048xf32>
    %mul3A_559 = arith.mulf %mul3A_468, %slice3A_558 : vector<1x2048xf32>
    %add3A_560 = arith.addf %add3A_557, %mul3A_559 : vector<1x2048xf32>
    %slice3A_561 = vector.extract_strided_slice %get3A_1 {offsets = [21, 0], sizes = [1, 2048], strides = [1, 1]} : vector<64x2048xf32> to vector<1x2048xf32>
    %mul3A_562 = arith.mulf %mul3A_471, %slice3A_561 : vector<1x2048xf32>
    %add3A_563 = arith.addf %add3A_560, %mul3A_562 : vector<1x2048xf32>
    %slice3A_564 = vector.extract_strided_slice %get3A_1 {offsets = [24, 0], sizes = [1, 2048], strides = [1, 1]} : vector<64x2048xf32> to vector<1x2048xf32>
    %mul3A_565 = arith.mulf %mul3A_474, %slice3A_564 : vector<1x2048xf32>
    %add3A_566 = arith.addf %add3A_563, %mul3A_565 : vector<1x2048xf32>
    %slice3A_567 = vector.extract_strided_slice %get3A_1 {offsets = [27, 0], sizes = [1, 2048], strides = [1, 1]} : vector<64x2048xf32> to vector<1x2048xf32>
    %mul3A_568 = arith.mulf %mul3A_477, %slice3A_567 : vector<1x2048xf32>
    %add3A_569 = arith.addf %add3A_566, %mul3A_568 : vector<1x2048xf32>
    %slice3A_570 = vector.extract_strided_slice %get3A_1 {offsets = [30, 0], sizes = [1, 2048], strides = [1, 1]} : vector<64x2048xf32> to vector<1x2048xf32>
    %mul3A_571 = arith.mulf %mul3A_485, %slice3A_570 : vector<1x2048xf32>
    %add3A_572 = arith.addf %add3A_569, %mul3A_571 : vector<1x2048xf32>
    %slice3A_573 = vector.extract_strided_slice %get3A_1 {offsets = [33, 0], sizes = [1, 2048], strides = [1, 1]} : vector<64x2048xf32> to vector<1x2048xf32>
    %mul3A_574 = arith.mulf %mul3A_488, %slice3A_573 : vector<1x2048xf32>
    %add3A_575 = arith.addf %add3A_572, %mul3A_574 : vector<1x2048xf32>
    %slice3A_576 = vector.extract_strided_slice %get3A_1 {offsets = [36, 0], sizes = [1, 2048], strides = [1, 1]} : vector<64x2048xf32> to vector<1x2048xf32>
    %mul3A_577 = arith.mulf %mul3A_492, %slice3A_576 : vector<1x2048xf32>
    %add3A_578 = arith.addf %add3A_575, %mul3A_577 : vector<1x2048xf32>
    %slice3A_579 = vector.extract_strided_slice %get3A_1 {offsets = [39, 0], sizes = [1, 2048], strides = [1, 1]} : vector<64x2048xf32> to vector<1x2048xf32>
    %mul3A_580 = arith.mulf %mul3A_500, %slice3A_579 : vector<1x2048xf32>
    %add3A_581 = arith.addf %add3A_578, %mul3A_580 : vector<1x2048xf32>
    %slice3A_582 = vector.extract_strided_slice %get3A_1 {offsets = [42, 0], sizes = [1, 2048], strides = [1, 1]} : vector<64x2048xf32> to vector<1x2048xf32>
    %mul3A_583 = arith.mulf %mul3A_504, %slice3A_582 : vector<1x2048xf32>
    %add3A_584 = arith.addf %add3A_581, %mul3A_583 : vector<1x2048xf32>
    %slice3A_585 = vector.extract_strided_slice %get3A_1 {offsets = [45, 0], sizes = [1, 2048], strides = [1, 1]} : vector<64x2048xf32> to vector<1x2048xf32>
    %mul3A_586 = arith.mulf %mul3A_513, %slice3A_585 : vector<1x2048xf32>
    %add3A_587 = arith.addf %add3A_584, %mul3A_586 : vector<1x2048xf32>
    %slice3A_588 = vector.extract_strided_slice %get3A_1 {offsets = [48, 0], sizes = [1, 2048], strides = [1, 1]} : vector<64x2048xf32> to vector<1x2048xf32>
    %mul3A_589 = arith.mulf %mul3A_528, %slice3A_588 : vector<1x2048xf32>
    %add3A_590 = arith.addf %add3A_587, %mul3A_589 : vector<1x2048xf32>
    %slice3A_591 = vector.extract_strided_slice %get3A_1 {offsets = [51, 0], sizes = [1, 2048], strides = [1, 1]} : vector<64x2048xf32> to vector<1x2048xf32>
    %mul3A_592 = arith.mulf %mul3A_537, %slice3A_591 : vector<1x2048xf32>
    %add3A_593 = arith.addf %add3A_590, %mul3A_592 : vector<1x2048xf32>
    %slice3A_594 = vector.extract_strided_slice %get3A_1 {offsets = [54, 0], sizes = [1, 2048], strides = [1, 1]} : vector<64x2048xf32> to vector<1x2048xf32>
    %mul3A_595 = arith.mulf %mul3A_542, %slice3A_594 : vector<1x2048xf32>
    %add3A_596 = arith.addf %add3A_593, %mul3A_595 : vector<1x2048xf32>
    %slice3A_597 = vector.extract_strided_slice %get3A_1 {offsets = [57, 0], sizes = [1, 2048], strides = [1, 1]} : vector<64x2048xf32> to vector<1x2048xf32>
    %mul3A_598 = arith.mulf %mul3A_550, %slice3A_597 : vector<1x2048xf32>
    %add3A_599 = arith.addf %add3A_596, %mul3A_598 : vector<1x2048xf32>
    %add3A_600 = arith.constant 5.000000e-01 : f32
    %add3A_601 = vector.broadcast %add3A_600 : f32 to vector<1x2048xf32>
    %add3A_602 = arith.addf %add3A_599, %add3A_601 : vector<1x2048xf32>
    %max3A_603 = arith.constant 0.000000e+00 : f32
    %max3A_604 = vector.broadcast %max3A_603 : f32 to vector<1x2048xf32>
    %max3A_605 = arith.maximumf %add3A_602, %max3A_604 : vector<1x2048xf32>
    %slice3A_606 = vector.extract_strided_slice %get3A_1 {offsets = [13, 0], sizes = [1, 2048], strides = [1, 1]} : vector<64x2048xf32> to vector<1x2048xf32>
    %mul3A_607 = arith.constant 0.282094806 : f32
    %mul3A_608 = vector.broadcast %mul3A_607 : f32 to vector<1x2048xf32>
    %mul3A_609 = arith.mulf %mul3A_608, %slice3A_606 : vector<1x2048xf32>
    %slice3A_610 = vector.extract_strided_slice %get3A_1 {offsets = [16, 0], sizes = [1, 2048], strides = [1, 1]} : vector<64x2048xf32> to vector<1x2048xf32>
    %mul3A_611 = arith.mulf %mul3A_465, %slice3A_610 : vector<1x2048xf32>
    %add3A_612 = arith.addf %mul3A_609, %mul3A_611 : vector<1x2048xf32>
    %slice3A_613 = vector.extract_strided_slice %get3A_1 {offsets = [19, 0], sizes = [1, 2048], strides = [1, 1]} : vector<64x2048xf32> to vector<1x2048xf32>
    %mul3A_614 = arith.mulf %mul3A_468, %slice3A_613 : vector<1x2048xf32>
    %add3A_615 = arith.addf %add3A_612, %mul3A_614 : vector<1x2048xf32>
    %slice3A_616 = vector.extract_strided_slice %get3A_1 {offsets = [22, 0], sizes = [1, 2048], strides = [1, 1]} : vector<64x2048xf32> to vector<1x2048xf32>
    %mul3A_617 = arith.mulf %mul3A_471, %slice3A_616 : vector<1x2048xf32>
    %add3A_618 = arith.addf %add3A_615, %mul3A_617 : vector<1x2048xf32>
    %slice3A_619 = vector.extract_strided_slice %get3A_1 {offsets = [25, 0], sizes = [1, 2048], strides = [1, 1]} : vector<64x2048xf32> to vector<1x2048xf32>
    %mul3A_620 = arith.mulf %mul3A_474, %slice3A_619 : vector<1x2048xf32>
    %add3A_621 = arith.addf %add3A_618, %mul3A_620 : vector<1x2048xf32>
    %slice3A_622 = vector.extract_strided_slice %get3A_1 {offsets = [28, 0], sizes = [1, 2048], strides = [1, 1]} : vector<64x2048xf32> to vector<1x2048xf32>
    %mul3A_623 = arith.mulf %mul3A_477, %slice3A_622 : vector<1x2048xf32>
    %add3A_624 = arith.addf %add3A_621, %mul3A_623 : vector<1x2048xf32>
    %slice3A_625 = vector.extract_strided_slice %get3A_1 {offsets = [31, 0], sizes = [1, 2048], strides = [1, 1]} : vector<64x2048xf32> to vector<1x2048xf32>
    %mul3A_626 = arith.mulf %mul3A_485, %slice3A_625 : vector<1x2048xf32>
    %add3A_627 = arith.addf %add3A_624, %mul3A_626 : vector<1x2048xf32>
    %slice3A_628 = vector.extract_strided_slice %get3A_1 {offsets = [34, 0], sizes = [1, 2048], strides = [1, 1]} : vector<64x2048xf32> to vector<1x2048xf32>
    %mul3A_629 = arith.mulf %mul3A_488, %slice3A_628 : vector<1x2048xf32>
    %add3A_630 = arith.addf %add3A_627, %mul3A_629 : vector<1x2048xf32>
    %slice3A_631 = vector.extract_strided_slice %get3A_1 {offsets = [37, 0], sizes = [1, 2048], strides = [1, 1]} : vector<64x2048xf32> to vector<1x2048xf32>
    %mul3A_632 = arith.mulf %mul3A_492, %slice3A_631 : vector<1x2048xf32>
    %add3A_633 = arith.addf %add3A_630, %mul3A_632 : vector<1x2048xf32>
    %slice3A_634 = vector.extract_strided_slice %get3A_1 {offsets = [40, 0], sizes = [1, 2048], strides = [1, 1]} : vector<64x2048xf32> to vector<1x2048xf32>
    %mul3A_635 = arith.mulf %mul3A_500, %slice3A_634 : vector<1x2048xf32>
    %add3A_636 = arith.addf %add3A_633, %mul3A_635 : vector<1x2048xf32>
    %slice3A_637 = vector.extract_strided_slice %get3A_1 {offsets = [43, 0], sizes = [1, 2048], strides = [1, 1]} : vector<64x2048xf32> to vector<1x2048xf32>
    %mul3A_638 = arith.mulf %mul3A_504, %slice3A_637 : vector<1x2048xf32>
    %add3A_639 = arith.addf %add3A_636, %mul3A_638 : vector<1x2048xf32>
    %slice3A_640 = vector.extract_strided_slice %get3A_1 {offsets = [46, 0], sizes = [1, 2048], strides = [1, 1]} : vector<64x2048xf32> to vector<1x2048xf32>
    %mul3A_641 = arith.mulf %mul3A_513, %slice3A_640 : vector<1x2048xf32>
    %add3A_642 = arith.addf %add3A_639, %mul3A_641 : vector<1x2048xf32>
    %slice3A_643 = vector.extract_strided_slice %get3A_1 {offsets = [49, 0], sizes = [1, 2048], strides = [1, 1]} : vector<64x2048xf32> to vector<1x2048xf32>
    %mul3A_644 = arith.mulf %mul3A_528, %slice3A_643 : vector<1x2048xf32>
    %add3A_645 = arith.addf %add3A_642, %mul3A_644 : vector<1x2048xf32>
    %slice3A_646 = vector.extract_strided_slice %get3A_1 {offsets = [52, 0], sizes = [1, 2048], strides = [1, 1]} : vector<64x2048xf32> to vector<1x2048xf32>
    %mul3A_647 = arith.mulf %mul3A_537, %slice3A_646 : vector<1x2048xf32>
    %add3A_648 = arith.addf %add3A_645, %mul3A_647 : vector<1x2048xf32>
    %slice3A_649 = vector.extract_strided_slice %get3A_1 {offsets = [55, 0], sizes = [1, 2048], strides = [1, 1]} : vector<64x2048xf32> to vector<1x2048xf32>
    %mul3A_650 = arith.mulf %mul3A_542, %slice3A_649 : vector<1x2048xf32>
    %add3A_651 = arith.addf %add3A_648, %mul3A_650 : vector<1x2048xf32>
    %slice3A_652 = vector.extract_strided_slice %get3A_1 {offsets = [58, 0], sizes = [1, 2048], strides = [1, 1]} : vector<64x2048xf32> to vector<1x2048xf32>
    %mul3A_653 = arith.mulf %mul3A_550, %slice3A_652 : vector<1x2048xf32>
    %add3A_654 = arith.addf %add3A_651, %mul3A_653 : vector<1x2048xf32>
    %add3A_655 = arith.constant 5.000000e-01 : f32
    %add3A_656 = vector.broadcast %add3A_655 : f32 to vector<1x2048xf32>
    %add3A_657 = arith.addf %add3A_654, %add3A_656 : vector<1x2048xf32>
    %max3A_658 = arith.constant 0.000000e+00 : f32
    %max3A_659 = vector.broadcast %max3A_658 : f32 to vector<1x2048xf32>
    %max3A_660 = arith.maximumf %add3A_657, %max3A_659 : vector<1x2048xf32>
    %slice3A_661 = vector.extract_strided_slice %get3A_1 {offsets = [14, 0], sizes = [1, 2048], strides = [1, 1]} : vector<64x2048xf32> to vector<1x2048xf32>
    %mul3A_662 = arith.constant 0.282094806 : f32
    %mul3A_663 = vector.broadcast %mul3A_662 : f32 to vector<1x2048xf32>
    %mul3A_664 = arith.mulf %mul3A_663, %slice3A_661 : vector<1x2048xf32>
    %slice3A_665 = vector.extract_strided_slice %get3A_1 {offsets = [17, 0], sizes = [1, 2048], strides = [1, 1]} : vector<64x2048xf32> to vector<1x2048xf32>
    %mul3A_666 = arith.mulf %mul3A_465, %slice3A_665 : vector<1x2048xf32>
    %add3A_667 = arith.addf %mul3A_664, %mul3A_666 : vector<1x2048xf32>
    %slice3A_668 = vector.extract_strided_slice %get3A_1 {offsets = [20, 0], sizes = [1, 2048], strides = [1, 1]} : vector<64x2048xf32> to vector<1x2048xf32>
    %mul3A_669 = arith.mulf %mul3A_468, %slice3A_668 : vector<1x2048xf32>
    %add3A_670 = arith.addf %add3A_667, %mul3A_669 : vector<1x2048xf32>
    %slice3A_671 = vector.extract_strided_slice %get3A_1 {offsets = [23, 0], sizes = [1, 2048], strides = [1, 1]} : vector<64x2048xf32> to vector<1x2048xf32>
    %mul3A_672 = arith.mulf %mul3A_471, %slice3A_671 : vector<1x2048xf32>
    %add3A_673 = arith.addf %add3A_670, %mul3A_672 : vector<1x2048xf32>
    %slice3A_674 = vector.extract_strided_slice %get3A_1 {offsets = [26, 0], sizes = [1, 2048], strides = [1, 1]} : vector<64x2048xf32> to vector<1x2048xf32>
    %mul3A_675 = arith.mulf %mul3A_474, %slice3A_674 : vector<1x2048xf32>
    %add3A_676 = arith.addf %add3A_673, %mul3A_675 : vector<1x2048xf32>
    %slice3A_677 = vector.extract_strided_slice %get3A_1 {offsets = [29, 0], sizes = [1, 2048], strides = [1, 1]} : vector<64x2048xf32> to vector<1x2048xf32>
    %mul3A_678 = arith.mulf %mul3A_477, %slice3A_677 : vector<1x2048xf32>
    %add3A_679 = arith.addf %add3A_676, %mul3A_678 : vector<1x2048xf32>
    %slice3A_680 = vector.extract_strided_slice %get3A_1 {offsets = [32, 0], sizes = [1, 2048], strides = [1, 1]} : vector<64x2048xf32> to vector<1x2048xf32>
    %mul3A_681 = arith.mulf %mul3A_485, %slice3A_680 : vector<1x2048xf32>
    %add3A_682 = arith.addf %add3A_679, %mul3A_681 : vector<1x2048xf32>
    %slice3A_683 = vector.extract_strided_slice %get3A_1 {offsets = [35, 0], sizes = [1, 2048], strides = [1, 1]} : vector<64x2048xf32> to vector<1x2048xf32>
    %mul3A_684 = arith.mulf %mul3A_488, %slice3A_683 : vector<1x2048xf32>
    %add3A_685 = arith.addf %add3A_682, %mul3A_684 : vector<1x2048xf32>
    %slice3A_686 = vector.extract_strided_slice %get3A_1 {offsets = [38, 0], sizes = [1, 2048], strides = [1, 1]} : vector<64x2048xf32> to vector<1x2048xf32>
    %mul3A_687 = arith.mulf %mul3A_492, %slice3A_686 : vector<1x2048xf32>
    %add3A_688 = arith.addf %add3A_685, %mul3A_687 : vector<1x2048xf32>
    %slice3A_689 = vector.extract_strided_slice %get3A_1 {offsets = [41, 0], sizes = [1, 2048], strides = [1, 1]} : vector<64x2048xf32> to vector<1x2048xf32>
    %mul3A_690 = arith.mulf %mul3A_500, %slice3A_689 : vector<1x2048xf32>
    %add3A_691 = arith.addf %add3A_688, %mul3A_690 : vector<1x2048xf32>
    %slice3A_692 = vector.extract_strided_slice %get3A_1 {offsets = [44, 0], sizes = [1, 2048], strides = [1, 1]} : vector<64x2048xf32> to vector<1x2048xf32>
    %mul3A_693 = arith.mulf %mul3A_504, %slice3A_692 : vector<1x2048xf32>
    %add3A_694 = arith.addf %add3A_691, %mul3A_693 : vector<1x2048xf32>
    %slice3A_695 = vector.extract_strided_slice %get3A_1 {offsets = [47, 0], sizes = [1, 2048], strides = [1, 1]} : vector<64x2048xf32> to vector<1x2048xf32>
    %mul3A_696 = arith.mulf %mul3A_513, %slice3A_695 : vector<1x2048xf32>
    %add3A_697 = arith.addf %add3A_694, %mul3A_696 : vector<1x2048xf32>
    %slice3A_698 = vector.extract_strided_slice %get3A_1 {offsets = [50, 0], sizes = [1, 2048], strides = [1, 1]} : vector<64x2048xf32> to vector<1x2048xf32>
    %mul3A_699 = arith.mulf %mul3A_528, %slice3A_698 : vector<1x2048xf32>
    %add3A_700 = arith.addf %add3A_697, %mul3A_699 : vector<1x2048xf32>
    %slice3A_701 = vector.extract_strided_slice %get3A_1 {offsets = [53, 0], sizes = [1, 2048], strides = [1, 1]} : vector<64x2048xf32> to vector<1x2048xf32>
    %mul3A_702 = arith.mulf %mul3A_537, %slice3A_701 : vector<1x2048xf32>
    %add3A_703 = arith.addf %add3A_700, %mul3A_702 : vector<1x2048xf32>
    %slice3A_704 = vector.extract_strided_slice %get3A_1 {offsets = [56, 0], sizes = [1, 2048], strides = [1, 1]} : vector<64x2048xf32> to vector<1x2048xf32>
    %mul3A_705 = arith.mulf %mul3A_542, %slice3A_704 : vector<1x2048xf32>
    %add3A_706 = arith.addf %add3A_703, %mul3A_705 : vector<1x2048xf32>
    %slice3A_707 = vector.extract_strided_slice %get3A_1 {offsets = [59, 0], sizes = [1, 2048], strides = [1, 1]} : vector<64x2048xf32> to vector<1x2048xf32>
    %mul3A_708 = arith.mulf %mul3A_550, %slice3A_707 : vector<1x2048xf32>
    %add3A_709 = arith.addf %add3A_706, %mul3A_708 : vector<1x2048xf32>
    %add3A_710 = arith.constant 5.000000e-01 : f32
    %add3A_711 = vector.broadcast %add3A_710 : f32 to vector<1x2048xf32>
    %add3A_712 = arith.addf %add3A_709, %add3A_711 : vector<1x2048xf32>
    %max3A_713 = arith.constant 0.000000e+00 : f32
    %max3A_714 = vector.broadcast %max3A_713 : f32 to vector<1x2048xf32>
    %max3A_715 = arith.maximumf %add3A_712, %max3A_714 : vector<1x2048xf32>
    %sub3A_716 = arith.subf %add3A_96, %mul3A_428 : vector<1x2048xf32>
    %add3A_717 = arith.addf %add3A_96, %mul3A_428 : vector<1x2048xf32>
    %sub3A_718 = arith.subf %add3A_103, %mul3A_428 : vector<1x2048xf32>
    %add3A_719 = arith.addf %add3A_103, %mul3A_428 : vector<1x2048xf32>
    %concatenate3A = tpu.concatenate %add3A_96, %add3A_103, %add3A_81, %mul3A_428, %div3A_429, %add3A_437, %div3A_438, %slice3A_14, %max3A_605, %max3A_660, %max3A_715, %select_n3A, %sub3A_716, %add3A_717, %sub3A_718, %add3A_719 in 0 : vector<1x2048xf32>, vector<1x2048xf32>, vector<1x2048xf32>, vector<1x2048xf32>, vector<1x2048xf32>, vector<1x2048xf32>, vector<1x2048xf32>, vector<1x2048xf32>, vector<1x2048xf32>, vector<1x2048xf32>, vector<1x2048xf32>, vector<1x2048xf32>, vector<1x2048xf32>, vector<1x2048xf32>, vector<1x2048xf32>, vector<1x2048xf32> -> vector<16x2048xf32>
    %swap3A = arith.constant 0 : index
    %swap3A_720 = arith.constant 0 : index
    %swap3A_721 = vector.load %arg3[%swap3A, %swap3A_720] : memref<16x2048xf32, #tpu.memory_space<vmem>>, vector<16x2048xf32>
    tpu.vector_store %arg3[%swap3A, %swap3A_720], %concatenate3A {strides = array<i32>} : memref<16x2048xf32, #tpu.memory_space<vmem>>, vector<16x2048xf32>,
    %iota3A = tpu.iota {dimensions = array<i32: 0>} : vector<256x1xi32>
    %jit3A_722 = arith.constant 16 : i32
    %div3A_723 = vector.broadcast %jit3A_722 : i32 to vector<256x1xi32>
    %div3A_724 = arith.divsi %iota3A, %div3A_723 : vector<256x1xi32>
    %sign3A = arith.constant 0 : i32
    %sign3A_725 = vector.broadcast %sign3A : i32 to vector<256x1xi32>
    %sign3A_726 = arith.cmpi sgt, %iota3A, %sign3A_725 : vector<256x1xi32>
    %sign3A_727 = arith.extui %sign3A_726 : vector<256x1xi1> to vector<256x1xi32>
    %sign3A_728 = arith.constant 0 : i32
    %sign3A_729 = vector.broadcast %sign3A_728 : i32 to vector<256x1xi32>
    %sign3A_730 = arith.cmpi slt, %iota3A, %sign3A_729 : vector<256x1xi32>
    %sign3A_731 = arith.extui %sign3A_730 : vector<256x1xi1> to vector<256x1xi32>
    %sign3A_732 = arith.subi %sign3A_727, %sign3A_731 : vector<256x1xi32>
    %sign3A_733 = arith.constant 0 : i32
    %sign3A_734 = arith.cmpi sgt, %jit3A_722, %sign3A_733 : i32
    %sign3A_735 = arith.extui %sign3A_734 : i1 to i32
    %sign3A_736 = arith.constant 0 : i32
    %sign3A_737 = arith.cmpi slt, %jit3A_722, %sign3A_736 : i32
    %sign3A_738 = arith.extui %sign3A_737 : i1 to i32
    %sign3A_739 = arith.subi %sign3A_735, %sign3A_738 : i32
    %ne3A = vector.broadcast %sign3A_739 : i32 to vector<256x1xi32>
    %ne3A_740 = arith.cmpi ne, %sign3A_732, %ne3A : vector<256x1xi32>
    %rem3A = vector.broadcast %jit3A_722 : i32 to vector<256x1xi32>
    %rem3A_741 = arith.remsi %iota3A, %rem3A : vector<256x1xi32>
    %ne3A_742 = arith.constant 0 : i32
    %ne3A_743 = vector.broadcast %ne3A_742 : i32 to vector<256x1xi32>
    %ne3A_744 = arith.cmpi ne, %rem3A_741, %ne3A_743 : vector<256x1xi32>
    %and3A_745 = arith.andi %ne3A_740, %ne3A_744 : vector<256x1xi1>
    %sub3A_746 = arith.constant 1 : i32
    %sub3A_747 = vector.broadcast %sub3A_746 : i32 to vector<256x1xi32>
    %sub3A_748 = arith.subi %div3A_724, %sub3A_747 : vector<256x1xi32>
    %select_n3A_749 = arith.select %and3A_745, %sub3A_748, %div3A_724 : vector<256x1xi1>, vector<256x1xi32>
    %mul3A_750 = arith.constant 16 : i32
    %mul3A_751 = vector.broadcast %mul3A_750 : i32 to vector<256x1xi32>
    %mul3A_752 = arith.muli %select_n3A_749, %mul3A_751 : vector<256x1xi32>
    %convert_element_type3A_753 = arith.sitofp %mul3A_752 : vector<256x1xi32> to vector<256x1xf32>
    %jit3A_754 = arith.constant 16 : i32
    %eq3A = arith.constant 0 : i32
    %eq3A_755 = arith.cmpi eq, %jit3A_754, %eq3A : i32
    %jit3A_756 = arith.constant 1 : i32
    %select_n3A_757 = arith.select %eq3A_755, %jit3A_756, %jit3A_754 : i32
    %rem3A_758 = vector.broadcast %select_n3A_757 : i32 to vector<256x1xi32>
    %rem3A_759 = arith.remsi %iota3A, %rem3A_758 : vector<256x1xi32>
    %ne3A_760 = arith.constant 0 : i32
    %ne3A_761 = vector.broadcast %ne3A_760 : i32 to vector<256x1xi32>
    %ne3A_762 = arith.cmpi ne, %rem3A_759, %ne3A_761 : vector<256x1xi32>
    %lt3A = arith.constant 0 : i32
    %lt3A_763 = vector.broadcast %lt3A : i32 to vector<256x1xi32>
    %lt3A_764 = arith.cmpi slt, %rem3A_759, %lt3A_763 : vector<256x1xi32>
    %lt3A_765 = arith.constant 0 : i32
    %lt3A_766 = arith.cmpi slt, %select_n3A_757, %lt3A_765 : i32
    %ne3A_767 = vector.broadcast %lt3A_766 : i1 to vector<256x1xi1>
    %ne3A_768 = vector.broadcast %ne3A_767 : vector<256x1xi1> to vector<256x1xi1>
    %ne3A_769 = arith.xori %lt3A_764, %ne3A_768 : vector<256x1xi1>
    %and3A_770 = arith.andi %ne3A_769, %ne3A_762 : vector<256x1xi1>
    %add3A_771 = vector.broadcast %select_n3A_757 : i32 to vector<256x1xi32>
    %add3A_772 = arith.addi %rem3A_759, %add3A_771 : vector<256x1xi32>
    %select_n3A_773 = arith.select %and3A_770, %add3A_772, %rem3A_759 : vector<256x1xi1>, vector<256x1xi32>
    %mul3A_774 = arith.constant 16 : i32
    %mul3A_775 = vector.broadcast %mul3A_774 : i32 to vector<256x1xi32>
    %mul3A_776 = arith.muli %select_n3A_773, %mul3A_775 : vector<256x1xi32>
    %convert_element_type3A_777 = arith.sitofp %mul3A_776 : vector<256x1xi32> to vector<256x1xf32>
    %ge3A = vector.broadcast %add3A_717 : vector<1x2048xf32> to vector<256x2048xf32>
    %ge3A_778 = vector.broadcast %convert_element_type3A_753 : vector<256x1xf32> to vector<256x2048xf32>
    %ge3A_779 = arith.cmpf oge, %ge3A, %ge3A_778 : vector<256x2048xf32>
    %add3A_780 = arith.constant 1.600000e+01 : f32
    %add3A_781 = vector.broadcast %add3A_780 : f32 to vector<256x1xf32>
    %add3A_782 = arith.addf %convert_element_type3A_753, %add3A_781 : vector<256x1xf32>
    %le3A = vector.broadcast %sub3A_716 : vector<1x2048xf32> to vector<256x2048xf32>
    %le3A_783 = vector.broadcast %add3A_782 : vector<256x1xf32> to vector<256x2048xf32>
    %le3A_784 = arith.cmpf ole, %le3A, %le3A_783 : vector<256x2048xf32>
    %and3A_785 = arith.andi %ge3A_779, %le3A_784 : vector<256x2048xi1>
    %ge3A_786 = vector.broadcast %add3A_719 : vector<1x2048xf32> to vector<256x2048xf32>
    %ge3A_787 = vector.broadcast %convert_element_type3A_777 : vector<256x1xf32> to vector<256x2048xf32>
    %ge3A_788 = arith.cmpf oge, %ge3A_786, %ge3A_787 : vector<256x2048xf32>
    %and3A_789 = arith.andi %and3A_785, %ge3A_788 : vector<256x2048xi1>
    %add3A_790 = arith.constant 1.600000e+01 : f32
    %add3A_791 = vector.broadcast %add3A_790 : f32 to vector<256x1xf32>
    %add3A_792 = arith.addf %convert_element_type3A_777, %add3A_791 : vector<256x1xf32>
    %le3A_793 = vector.broadcast %sub3A_718 : vector<1x2048xf32> to vector<256x2048xf32>
    %le3A_794 = vector.broadcast %add3A_792 : vector<256x1xf32> to vector<256x2048xf32>
    %le3A_795 = arith.cmpf ole, %le3A_793, %le3A_794 : vector<256x2048xf32>
    %and3A_796 = arith.andi %and3A_789, %le3A_795 : vector<256x2048xi1>
    %gt3A_797 = arith.constant 5.000000e-01 : f32
    %gt3A_798 = vector.broadcast %gt3A_797 : f32 to vector<1x2048xf32>
    %gt3A_799 = arith.cmpf ogt, %select_n3A, %gt3A_798 : vector<1x2048xf32>
    %and3A_800 = vector.broadcast %gt3A_799 : vector<1x2048xi1> to vector<256x2048xi1>
    %and3A_801 = arith.andi %and3A_796, %and3A_800 : vector<256x2048xi1>
    %neg3A_802 = arith.constant 0.000000e+00 : f32
    %neg3A_803 = vector.broadcast %neg3A_802 : f32 to vector<1x2048xf32>
    %neg3A_804 = arith.subf %neg3A_803, %add3A_81 : vector<1x2048xf32>
    %jit3A_805 = arith.constant -1.000000e+10 : f32
    %broadcast_in_dim3A_806 = vector.shape_cast %neg3A_804 : vector<1x2048xf32> to vector<1x2048xf32>
    %broadcast_in_dim3A_807 = vector.broadcast %broadcast_in_dim3A_806 : vector<1x2048xf32> to vector<256x2048xf32>
    %broadcast_in_dim3A_808 = vector.broadcast %jit3A_805 : f32 to vector<256x2048xf32>
    %select_n3A_809 = arith.select %and3A_801, %broadcast_in_dim3A_807, %broadcast_in_dim3A_808 : vector<256x2048xi1>, vector<256x2048xf32>
    %swap3A_810 = arith.constant 0 : index
    %swap3A_811 = arith.constant 0 : index
    %swap3A_812 = vector.load %arg4[%swap3A_810, %swap3A_811] : memref<256x2048xf32, #tpu.memory_space<vmem>>, vector<256x2048xf32>
    tpu.vector_store %arg4[%swap3A_810, %swap3A_811], %select_n3A_809 {strides = array<i32>} : memref<256x2048xf32, #tpu.memory_space<vmem>>, vector<256x2048xf32>,
    return
  }
  func.func @transform_0(%arg0: i32) -> (i32, i32) {
    %c0_i32 = arith.constant 0 : i32
    %c0_i32_0 = arith.constant 0 : i32
    return %c0_i32, %arg0 : i32, i32
  }
  func.func @transform_1(%arg0: i32) -> (i32, i32) {
    %c0_i32 = arith.constant 0 : i32
    %c0_i32_0 = arith.constant 0 : i32
    %c0_i32_1 = arith.constant 0 : i32
    return %c0_i32, %c0_i32_0 : i32, i32
  }
  func.func @transform_2(%arg0: i32) -> (i32, i32) {
    %c0_i32 = arith.constant 0 : i32
    %c0_i32_0 = arith.constant 0 : i32
    return %c0_i32, %arg0 : i32, i32
  }
  func.func @transform_3(%arg0: i32) -> (i32, i32) {
    %c0_i32 = arith.constant 0 : i32
    %c0_i32_0 = arith.constant 0 : i32
    return %c0_i32, %arg0 : i32, i32
  }
}

module attributes {stable_mosaic.version = 14 : i64} {
  func.func @_blend_body(%arg0: i32, %arg1: memref<1x64x16xf32, #tpu.memory_space<vmem>>, %arg2: memref<1x3x256xf32, #tpu.memory_space<vmem>>) attributes {dimension_semantics = [#tpu.dimension_semantics<arbitrary>], iteration_bounds = array<i64: 256>, scalar_prefetch = 0 : i64, scratch_operands = 0 : i64, tpu.core_type = #tpu.core_type<tc>, window_params = [{transform_indices = @transform_0, window_bounds = array<i64: 1, 64, 16>}, {transform_indices = @transform_1, window_bounds = array<i64: 1, 3, 256>}]} {
    %get3A = arith.constant 0 : index
    %get3A_0 = arith.constant 0 : index
    %get3A_1 = arith.constant 0 : index
    %get3A_2 = vector.load %arg1[%get3A, %get3A_0, %get3A_1] : memref<1x64x16xf32, #tpu.memory_space<vmem>>, vector<1x64x16xf32>
    %get3A_3 = vector.shape_cast %get3A_2 : vector<1x64x16xf32> to vector<64x16xf32>
    %slice3A = vector.extract_strided_slice %get3A_3 {offsets = [0, 0], sizes = [64, 1], strides = [1, 1]} : vector<64x16xf32> to vector<64x1xf32>
    %slice3A_4 = vector.extract_strided_slice %get3A_3 {offsets = [0, 1], sizes = [64, 1], strides = [1, 1]} : vector<64x16xf32> to vector<64x1xf32>
    %slice3A_5 = vector.extract_strided_slice %get3A_3 {offsets = [0, 2], sizes = [64, 1], strides = [1, 1]} : vector<64x16xf32> to vector<64x1xf32>
    %slice3A_6 = vector.extract_strided_slice %get3A_3 {offsets = [0, 3], sizes = [64, 1], strides = [1, 1]} : vector<64x16xf32> to vector<64x1xf32>
    %slice3A_7 = vector.extract_strided_slice %get3A_3 {offsets = [0, 4], sizes = [64, 1], strides = [1, 1]} : vector<64x16xf32> to vector<64x1xf32>
    %slice3A_8 = vector.extract_strided_slice %get3A_3 {offsets = [0, 5], sizes = [64, 1], strides = [1, 1]} : vector<64x16xf32> to vector<64x1xf32>
    %slice3A_9 = vector.extract_strided_slice %get3A_3 {offsets = [0, 6], sizes = [64, 1], strides = [1, 1]} : vector<64x16xf32> to vector<64x1xf32>
    %jit3A = arith.constant 16 : i32
    %div3A = arith.divsi %arg0, %jit3A : i32
    %sign3A = arith.constant 0 : i32
    %sign3A_10 = arith.cmpi sgt, %arg0, %sign3A : i32
    %sign3A_11 = arith.extui %sign3A_10 : i1 to i32
    %sign3A_12 = arith.constant 0 : i32
    %sign3A_13 = arith.cmpi slt, %arg0, %sign3A_12 : i32
    %sign3A_14 = arith.extui %sign3A_13 : i1 to i32
    %sign3A_15 = arith.subi %sign3A_11, %sign3A_14 : i32
    %sign3A_16 = arith.constant 0 : i32
    %sign3A_17 = arith.cmpi sgt, %jit3A, %sign3A_16 : i32
    %sign3A_18 = arith.extui %sign3A_17 : i1 to i32
    %sign3A_19 = arith.constant 0 : i32
    %sign3A_20 = arith.cmpi slt, %jit3A, %sign3A_19 : i32
    %sign3A_21 = arith.extui %sign3A_20 : i1 to i32
    %sign3A_22 = arith.subi %sign3A_18, %sign3A_21 : i32
    %ne3A = arith.cmpi ne, %sign3A_15, %sign3A_22 : i32
    %rem3A = arith.remsi %arg0, %jit3A : i32
    %ne3A_23 = arith.constant 0 : i32
    %ne3A_24 = arith.cmpi ne, %rem3A, %ne3A_23 : i32
    %and3A = arith.andi %ne3A, %ne3A_24 : i1
    %sub3A = arith.constant 1 : i32
    %sub3A_25 = arith.subi %div3A, %sub3A : i32
    %select_n3A = arith.select %and3A, %sub3A_25, %div3A : i32
    %mul3A = arith.constant 16 : i32
    %mul3A_26 = arith.muli %select_n3A, %mul3A : i32
    %convert_element_type3A = arith.sitofp %mul3A_26 : i32 to f32
    %jit3A_27 = arith.constant 16 : i32
    %eq3A = arith.constant 0 : i32
    %eq3A_28 = arith.cmpi eq, %jit3A_27, %eq3A : i32
    %jit3A_29 = arith.constant 1 : i32
    %select_n3A_30 = arith.select %eq3A_28, %jit3A_29, %jit3A_27 : i32
    %rem3A_31 = arith.remsi %arg0, %select_n3A_30 : i32
    %ne3A_32 = arith.constant 0 : i32
    %ne3A_33 = arith.cmpi ne, %rem3A_31, %ne3A_32 : i32
    %lt3A = arith.constant 0 : i32
    %lt3A_34 = arith.cmpi slt, %rem3A_31, %lt3A : i32
    %lt3A_35 = arith.constant 0 : i32
    %lt3A_36 = arith.cmpi slt, %select_n3A_30, %lt3A_35 : i32
    %ne3A_37 = arith.xori %lt3A_34, %lt3A_36 : i1
    %and3A_38 = arith.andi %ne3A_37, %ne3A_33 : i1
    %add3A = arith.addi %rem3A_31, %select_n3A_30 : i32
    %select_n3A_39 = arith.select %and3A_38, %add3A, %rem3A_31 : i32
    %mul3A_40 = arith.constant 16 : i32
    %mul3A_41 = arith.muli %select_n3A_39, %mul3A_40 : i32
    %convert_element_type3A_42 = arith.sitofp %mul3A_41 : i32 to f32
    %iota3A = tpu.iota {dimensions = array<i32: 1>} : vector<1x256xi32>
    %jit3A_43 = arith.constant 16 : i32
    %div3A_44 = vector.broadcast %jit3A_43 : i32 to vector<1x256xi32>
    %div3A_45 = arith.divsi %iota3A, %div3A_44 : vector<1x256xi32>
    %sign3A_46 = arith.constant 0 : i32
    %sign3A_47 = vector.broadcast %sign3A_46 : i32 to vector<1x256xi32>
    %sign3A_48 = arith.cmpi sgt, %iota3A, %sign3A_47 : vector<1x256xi32>
    %sign3A_49 = arith.extui %sign3A_48 : vector<1x256xi1> to vector<1x256xi32>
    %sign3A_50 = arith.constant 0 : i32
    %sign3A_51 = vector.broadcast %sign3A_50 : i32 to vector<1x256xi32>
    %sign3A_52 = arith.cmpi slt, %iota3A, %sign3A_51 : vector<1x256xi32>
    %sign3A_53 = arith.extui %sign3A_52 : vector<1x256xi1> to vector<1x256xi32>
    %sign3A_54 = arith.subi %sign3A_49, %sign3A_53 : vector<1x256xi32>
    %sign3A_55 = arith.constant 0 : i32
    %sign3A_56 = arith.cmpi sgt, %jit3A_43, %sign3A_55 : i32
    %sign3A_57 = arith.extui %sign3A_56 : i1 to i32
    %sign3A_58 = arith.constant 0 : i32
    %sign3A_59 = arith.cmpi slt, %jit3A_43, %sign3A_58 : i32
    %sign3A_60 = arith.extui %sign3A_59 : i1 to i32
    %sign3A_61 = arith.subi %sign3A_57, %sign3A_60 : i32
    %ne3A_62 = vector.broadcast %sign3A_61 : i32 to vector<1x256xi32>
    %ne3A_63 = arith.cmpi ne, %sign3A_54, %ne3A_62 : vector<1x256xi32>
    %rem3A_64 = vector.broadcast %jit3A_43 : i32 to vector<1x256xi32>
    %rem3A_65 = arith.remsi %iota3A, %rem3A_64 : vector<1x256xi32>
    %ne3A_66 = arith.constant 0 : i32
    %ne3A_67 = vector.broadcast %ne3A_66 : i32 to vector<1x256xi32>
    %ne3A_68 = arith.cmpi ne, %rem3A_65, %ne3A_67 : vector<1x256xi32>
    %and3A_69 = arith.andi %ne3A_63, %ne3A_68 : vector<1x256xi1>
    %sub3A_70 = arith.constant 1 : i32
    %sub3A_71 = vector.broadcast %sub3A_70 : i32 to vector<1x256xi32>
    %sub3A_72 = arith.subi %div3A_45, %sub3A_71 : vector<1x256xi32>
    %select_n3A_73 = arith.select %and3A_69, %sub3A_72, %div3A_45 : vector<1x256xi1>, vector<1x256xi32>
    %convert_element_type3A_74 = arith.sitofp %select_n3A_73 : vector<1x256xi32> to vector<1x256xf32>
    %jit3A_75 = arith.constant 16 : i32
    %eq3A_76 = arith.constant 0 : i32
    %eq3A_77 = arith.cmpi eq, %jit3A_75, %eq3A_76 : i32
    %jit3A_78 = arith.constant 1 : i32
    %select_n3A_79 = arith.select %eq3A_77, %jit3A_78, %jit3A_75 : i32
    %rem3A_80 = vector.broadcast %select_n3A_79 : i32 to vector<1x256xi32>
    %rem3A_81 = arith.remsi %iota3A, %rem3A_80 : vector<1x256xi32>
    %ne3A_82 = arith.constant 0 : i32
    %ne3A_83 = vector.broadcast %ne3A_82 : i32 to vector<1x256xi32>
    %ne3A_84 = arith.cmpi ne, %rem3A_81, %ne3A_83 : vector<1x256xi32>
    %lt3A_85 = arith.constant 0 : i32
    %lt3A_86 = vector.broadcast %lt3A_85 : i32 to vector<1x256xi32>
    %lt3A_87 = arith.cmpi slt, %rem3A_81, %lt3A_86 : vector<1x256xi32>
    %lt3A_88 = arith.constant 0 : i32
    %lt3A_89 = arith.cmpi slt, %select_n3A_79, %lt3A_88 : i32
    %ne3A_90 = vector.broadcast %lt3A_89 : i1 to vector<1x256xi1>
    %ne3A_91 = vector.broadcast %ne3A_90 : vector<1x256xi1> to vector<1x256xi1>
    %ne3A_92 = arith.xori %lt3A_87, %ne3A_91 : vector<1x256xi1>
    %and3A_93 = arith.andi %ne3A_92, %ne3A_84 : vector<1x256xi1>
    %add3A_94 = vector.broadcast %select_n3A_79 : i32 to vector<1x256xi32>
    %add3A_95 = arith.addi %rem3A_81, %add3A_94 : vector<1x256xi32>
    %select_n3A_96 = arith.select %and3A_93, %add3A_95, %rem3A_81 : vector<1x256xi1>, vector<1x256xi32>
    %convert_element_type3A_97 = arith.sitofp %select_n3A_96 : vector<1x256xi32> to vector<1x256xf32>
    %add3A_98 = vector.broadcast %convert_element_type3A : f32 to vector<1x256xf32>
    %add3A_99 = arith.addf %convert_element_type3A_74, %add3A_98 : vector<1x256xf32>
    %add3A_100 = arith.constant 5.000000e-01 : f32
    %add3A_101 = vector.broadcast %add3A_100 : f32 to vector<1x256xf32>
    %add3A_102 = arith.addf %add3A_99, %add3A_101 : vector<1x256xf32>
    %add3A_103 = vector.broadcast %convert_element_type3A_42 : f32 to vector<1x256xf32>
    %add3A_104 = arith.addf %convert_element_type3A_97, %add3A_103 : vector<1x256xf32>
    %add3A_105 = arith.constant 5.000000e-01 : f32
    %add3A_106 = vector.broadcast %add3A_105 : f32 to vector<1x256xf32>
    %add3A_107 = arith.addf %add3A_104, %add3A_106 : vector<1x256xf32>
    %sub3A_108 = vector.broadcast %add3A_102 : vector<1x256xf32> to vector<64x256xf32>
    %sub3A_109 = vector.broadcast %slice3A : vector<64x1xf32> to vector<64x256xf32>
    %sub3A_110 = arith.subf %sub3A_108, %sub3A_109 : vector<64x256xf32>
    %sub3A_111 = vector.broadcast %add3A_107 : vector<1x256xf32> to vector<64x256xf32>
    %sub3A_112 = vector.broadcast %slice3A_4 : vector<64x1xf32> to vector<64x256xf32>
    %sub3A_113 = arith.subf %sub3A_111, %sub3A_112 : vector<64x256xf32>
    %mul3A_114 = vector.broadcast %slice3A_5 : vector<64x1xf32> to vector<64x256xf32>
    %mul3A_115 = arith.mulf %mul3A_114, %sub3A_110 : vector<64x256xf32>
    %mul3A_116 = arith.mulf %mul3A_115, %sub3A_110 : vector<64x256xf32>
    %mul3A_117 = vector.broadcast %slice3A_7 : vector<64x1xf32> to vector<64x256xf32>
    %mul3A_118 = arith.mulf %mul3A_117, %sub3A_113 : vector<64x256xf32>
    %mul3A_119 = arith.mulf %mul3A_118, %sub3A_113 : vector<64x256xf32>
    %add3A_120 = arith.addf %mul3A_116, %mul3A_119 : vector<64x256xf32>
    %mul3A_121 = vector.broadcast %slice3A_6 : vector<64x1xf32> to vector<64x256xf32>
    %mul3A_122 = arith.mulf %mul3A_121, %sub3A_110 : vector<64x256xf32>
    %mul3A_123 = arith.mulf %mul3A_122, %sub3A_113 : vector<64x256xf32>
    %add3A_124 = arith.addf %add3A_120, %mul3A_123 : vector<64x256xf32>
    %mul3A_125 = arith.constant -5.000000e-01 : f32
    %mul3A_126 = vector.broadcast %mul3A_125 : f32 to vector<64x256xf32>
    %mul3A_127 = arith.mulf %mul3A_126, %add3A_124 : vector<64x256xf32>
    %min3A = arith.constant 0.000000e+00 : f32
    %min3A_128 = vector.broadcast %min3A : f32 to vector<64x256xf32>
    %min3A_129 = arith.minimumf %mul3A_127, %min3A_128 : vector<64x256xf32>
    %exp3A = math.exp %min3A_129 : vector<64x256xf32>
    %mul3A_130 = vector.broadcast %slice3A_8 : vector<64x1xf32> to vector<64x256xf32>
    %mul3A_131 = arith.mulf %mul3A_130, %exp3A : vector<64x256xf32>
    %jit3A_132 = arith.constant 0.00999999977 : f32
    %jit3A_133 = arith.constant 9.900000e-01 : f32
    %max3A = vector.broadcast %jit3A_132 : f32 to vector<64x256xf32>
    %max3A_134 = arith.maximumf %max3A, %mul3A_131 : vector<64x256xf32>
    %min3A_135 = vector.broadcast %jit3A_133 : f32 to vector<64x256xf32>
    %min3A_136 = arith.minimumf %min3A_135, %max3A_134 : vector<64x256xf32>
    %mul3A_137 = vector.broadcast %slice3A_9 : vector<64x1xf32> to vector<64x256xf32>
    %mul3A_138 = arith.mulf %min3A_136, %mul3A_137 : vector<64x256xf32>
    %sub3A_139 = arith.constant 1.000000e+00 : f32
    %sub3A_140 = vector.broadcast %sub3A_139 : f32 to vector<64x256xf32>
    %sub3A_141 = arith.subf %sub3A_140, %mul3A_138 : vector<64x256xf32>
    %broadcast_in_dim3A = arith.constant 1.000000e+00 : f32
    %broadcast_in_dim3A_142 = vector.broadcast %broadcast_in_dim3A : f32 to vector<1x256xf32>
    %slice3A_143 = vector.extract_strided_slice %sub3A_141 {offsets = [0, 0], sizes = [63, 256], strides = [1, 1]} : vector<64x256xf32> to vector<63x256xf32>
    %concatenate3A = tpu.concatenate %broadcast_in_dim3A_142, %slice3A_143 in 0 : vector<1x256xf32>, vector<63x256xf32> -> vector<64x256xf32>
    %broadcast_in_dim3A_144 = arith.constant 1.000000e+00 : f32
    %broadcast_in_dim3A_145 = vector.broadcast %broadcast_in_dim3A_144 : f32 to vector<1x256xf32>
    %slice3A_146 = vector.extract_strided_slice %concatenate3A {offsets = [0, 0], sizes = [63, 256], strides = [1, 1]} : vector<64x256xf32> to vector<63x256xf32>
    %concatenate3A_147 = tpu.concatenate %broadcast_in_dim3A_145, %slice3A_146 in 0 : vector<1x256xf32>, vector<63x256xf32> -> vector<64x256xf32>
    %mul3A_148 = arith.mulf %concatenate3A, %concatenate3A_147 : vector<64x256xf32>
    %broadcast_in_dim3A_149 = arith.constant 1.000000e+00 : f32
    %broadcast_in_dim3A_150 = vector.broadcast %broadcast_in_dim3A_149 : f32 to vector<2x256xf32>
    %slice3A_151 = vector.extract_strided_slice %mul3A_148 {offsets = [0, 0], sizes = [62, 256], strides = [1, 1]} : vector<64x256xf32> to vector<62x256xf32>
    %concatenate3A_152 = tpu.concatenate %broadcast_in_dim3A_150, %slice3A_151 in 0 : vector<2x256xf32>, vector<62x256xf32> -> vector<64x256xf32>
    %mul3A_153 = arith.mulf %mul3A_148, %concatenate3A_152 : vector<64x256xf32>
    %broadcast_in_dim3A_154 = arith.constant 1.000000e+00 : f32
    %broadcast_in_dim3A_155 = vector.broadcast %broadcast_in_dim3A_154 : f32 to vector<4x256xf32>
    %slice3A_156 = vector.extract_strided_slice %mul3A_153 {offsets = [0, 0], sizes = [60, 256], strides = [1, 1]} : vector<64x256xf32> to vector<60x256xf32>
    %concatenate3A_157 = tpu.concatenate %broadcast_in_dim3A_155, %slice3A_156 in 0 : vector<4x256xf32>, vector<60x256xf32> -> vector<64x256xf32>
    %mul3A_158 = arith.mulf %mul3A_153, %concatenate3A_157 : vector<64x256xf32>
    %broadcast_in_dim3A_159 = arith.constant 1.000000e+00 : f32
    %broadcast_in_dim3A_160 = vector.broadcast %broadcast_in_dim3A_159 : f32 to vector<8x256xf32>
    %slice3A_161 = vector.extract_strided_slice %mul3A_158 {offsets = [0, 0], sizes = [56, 256], strides = [1, 1]} : vector<64x256xf32> to vector<56x256xf32>
    %concatenate3A_162 = tpu.concatenate %broadcast_in_dim3A_160, %slice3A_161 in 0 : vector<8x256xf32>, vector<56x256xf32> -> vector<64x256xf32>
    %mul3A_163 = arith.mulf %mul3A_158, %concatenate3A_162 : vector<64x256xf32>
    %broadcast_in_dim3A_164 = arith.constant 1.000000e+00 : f32
    %broadcast_in_dim3A_165 = vector.broadcast %broadcast_in_dim3A_164 : f32 to vector<16x256xf32>
    %slice3A_166 = vector.extract_strided_slice %mul3A_163 {offsets = [0, 0], sizes = [48, 256], strides = [1, 1]} : vector<64x256xf32> to vector<48x256xf32>
    %concatenate3A_167 = tpu.concatenate %broadcast_in_dim3A_165, %slice3A_166 in 0 : vector<16x256xf32>, vector<48x256xf32> -> vector<64x256xf32>
    %mul3A_168 = arith.mulf %mul3A_163, %concatenate3A_167 : vector<64x256xf32>
    %broadcast_in_dim3A_169 = arith.constant 1.000000e+00 : f32
    %broadcast_in_dim3A_170 = vector.broadcast %broadcast_in_dim3A_169 : f32 to vector<32x256xf32>
    %slice3A_171 = vector.extract_strided_slice %mul3A_168 {offsets = [0, 0], sizes = [32, 256], strides = [1, 1]} : vector<64x256xf32> to vector<32x256xf32>
    %concatenate3A_172 = tpu.concatenate %broadcast_in_dim3A_170, %slice3A_171 in 0 : vector<32x256xf32>, vector<32x256xf32> -> vector<64x256xf32>
    %mul3A_173 = arith.mulf %mul3A_168, %concatenate3A_172 : vector<64x256xf32>
    %mul3A_174 = arith.mulf %mul3A_138, %mul3A_173 : vector<64x256xf32>
    %slice3A_175 = vector.extract_strided_slice %get3A_3 {offsets = [0, 8], sizes = [64, 1], strides = [1, 1]} : vector<64x16xf32> to vector<64x1xf32>
    %mul3A_176 = vector.broadcast %slice3A_175 : vector<64x1xf32> to vector<64x256xf32>
    %mul3A_177 = arith.mulf %mul3A_174, %mul3A_176 : vector<64x256xf32>
    %reduce_sum3A = arith.constant dense<0.000000e+00> : vector<256xf32>
    %reduce_sum3A_178 = vector.multi_reduction <add>, %mul3A_177, %reduce_sum3A [0] : vector<64x256xf32> to vector<256xf32>
    %broadcast_in_dim3A_179 = vector.shape_cast %reduce_sum3A_178 : vector<256xf32> to vector<1x256xf32>
    %swap3A = arith.constant 0 : index
    %swap3A_180 = arith.constant 0 : index
    %swap3A_181 = arith.constant 0 : index
    %swap3A_182 = vector.load %arg2[%swap3A, %swap3A_180, %swap3A_181] : memref<1x3x256xf32, #tpu.memory_space<vmem>>, vector<1x1x256xf32>
    %swap3A_183 = vector.shape_cast %swap3A_182 : vector<1x1x256xf32> to vector<1x256xf32>
    %swap3A_184 = vector.shape_cast %broadcast_in_dim3A_179 : vector<1x256xf32> to vector<1x1x256xf32>
    tpu.vector_store %arg2[%swap3A, %swap3A_180, %swap3A_181], %swap3A_184 {strides = array<i32>} : memref<1x3x256xf32, #tpu.memory_space<vmem>>, vector<1x1x256xf32>,
    %slice3A_185 = vector.extract_strided_slice %get3A_3 {offsets = [0, 9], sizes = [64, 1], strides = [1, 1]} : vector<64x16xf32> to vector<64x1xf32>
    %mul3A_186 = vector.broadcast %slice3A_185 : vector<64x1xf32> to vector<64x256xf32>
    %mul3A_187 = arith.mulf %mul3A_174, %mul3A_186 : vector<64x256xf32>
    %reduce_sum3A_188 = arith.constant dense<0.000000e+00> : vector<256xf32>
    %reduce_sum3A_189 = vector.multi_reduction <add>, %mul3A_187, %reduce_sum3A_188 [0] : vector<64x256xf32> to vector<256xf32>
    %broadcast_in_dim3A_190 = vector.shape_cast %reduce_sum3A_189 : vector<256xf32> to vector<1x256xf32>
    %swap3A_191 = arith.constant 0 : index
    %swap3A_192 = arith.constant 1 : index
    %swap3A_193 = arith.constant 0 : index
    %swap3A_194 = vector.load %arg2[%swap3A_191, %swap3A_192, %swap3A_193] : memref<1x3x256xf32, #tpu.memory_space<vmem>>, vector<1x1x256xf32>
    %swap3A_195 = vector.shape_cast %swap3A_194 : vector<1x1x256xf32> to vector<1x256xf32>
    %swap3A_196 = vector.shape_cast %broadcast_in_dim3A_190 : vector<1x256xf32> to vector<1x1x256xf32>
    tpu.vector_store %arg2[%swap3A_191, %swap3A_192, %swap3A_193], %swap3A_196 {strides = array<i32>} : memref<1x3x256xf32, #tpu.memory_space<vmem>>, vector<1x1x256xf32>,
    %slice3A_197 = vector.extract_strided_slice %get3A_3 {offsets = [0, 10], sizes = [64, 1], strides = [1, 1]} : vector<64x16xf32> to vector<64x1xf32>
    %mul3A_198 = vector.broadcast %slice3A_197 : vector<64x1xf32> to vector<64x256xf32>
    %mul3A_199 = arith.mulf %mul3A_174, %mul3A_198 : vector<64x256xf32>
    %reduce_sum3A_200 = arith.constant dense<0.000000e+00> : vector<256xf32>
    %reduce_sum3A_201 = vector.multi_reduction <add>, %mul3A_199, %reduce_sum3A_200 [0] : vector<64x256xf32> to vector<256xf32>
    %broadcast_in_dim3A_202 = vector.shape_cast %reduce_sum3A_201 : vector<256xf32> to vector<1x256xf32>
    %swap3A_203 = arith.constant 0 : index
    %swap3A_204 = arith.constant 2 : index
    %swap3A_205 = arith.constant 0 : index
    %swap3A_206 = vector.load %arg2[%swap3A_203, %swap3A_204, %swap3A_205] : memref<1x3x256xf32, #tpu.memory_space<vmem>>, vector<1x1x256xf32>
    %swap3A_207 = vector.shape_cast %swap3A_206 : vector<1x1x256xf32> to vector<1x256xf32>
    %swap3A_208 = vector.shape_cast %broadcast_in_dim3A_202 : vector<1x256xf32> to vector<1x1x256xf32>
    tpu.vector_store %arg2[%swap3A_203, %swap3A_204, %swap3A_205], %swap3A_208 {strides = array<i32>} : memref<1x3x256xf32, #tpu.memory_space<vmem>>, vector<1x1x256xf32>,
    return
  }
  func.func @transform_0(%arg0: i32) -> (i32, i32, i32) {
    %c0_i32 = arith.constant 0 : i32
    %c0_i32_0 = arith.constant 0 : i32
    %c0_i32_1 = arith.constant 0 : i32
    return %arg0, %c0_i32, %c0_i32_0 : i32, i32, i32
  }
  func.func @transform_1(%arg0: i32) -> (i32, i32, i32) {
    %c0_i32 = arith.constant 0 : i32
    %c0_i32_0 = arith.constant 0 : i32
    %c0_i32_1 = arith.constant 0 : i32
    return %arg0, %c0_i32, %c0_i32_0 : i32, i32, i32
  }
}

</mosaic_0001>

<sc_bundles>
// kernel: gather_offload_async_start
scs
__scs_entry_jumppad:
0x0: {  	(pc) =	sbr.rel $0x88, $3  }
0x1: {  	(tag) =	ssettag $0x0;
	lr =	simm.s32 $0x1  }
0x2: {  	[smem:$0x3F9A] =	sst lr;
	_ =	strace $0xD0000000  }
0x3: {  	_ = 	snop  }
0x4: {  	_ = 	snop  }
0x5: {  	_ = 	snop  }
0x6: {  	_ = 	snop  }
0x7: {  	_ = 	snop  }
__scs_overlays_trampoline_lowered:
0x8: {  	[smem:$0x3FA9] =	sst s0  }
0x9: {  	[smem:$0x3FAA] =	sst s1  }
0xa: {  	[smem:$0x3FAB] =	sst s2  }
0xb: {  	[smem:$0x3FAC] =	sst s3  }
0xc: {  	[smem:$0x3FAD] =	sst s4  }
0xd: {  	[smem:$0x3FAE] =	sst s5  }
0xe: {  	[smem:$0x3FAF] =	sst s6  }
0xf: {  	[smem:$0x3FB0] =	sst s7  }
0x10: {  	[smem:$0x3FB1] =	sst s8  }
0x11: {  	[smem:$0x3FB2] =	sst s9;
	s0 =	simm.s32 @!p0 $0x0  }
0x12: {  	s1 =	sld [smem:$0x3F98];
	s0 =	simm.s32 @p0 $0x1  }
0x13: {  	[smem:$0x3FB3] =	sst s0;
	s0 =	simm.s32 @!p1 $0x0  }
0x14: {  	s2 =	sld [smem:$0x3F97];
	s0 =	simm.s32 @p1 $0x1  }
0x15: {  	[smem:$0x3FB4] =	sst s0;
	s0 =	simm.s32 @!p2 $0x0  }
0x16: {  	s3 =	sld [smem:$0x3FDB];
	s0 =	simm.s32 @p2 $0x1  }
0x17: {  	s4 =	simm.s32 $0x1BF5;
	[smem:$0x3FB6] =	sst s0  }
0x18: {  	s0 =	sld [smem:$0x3F99];
	_ =	swait.ge [sflag:s4], $0x0  }
0x19: {  	s7 =	sld [smem:$0x3F9A]  }
0x1a: {  	s8 =	sadd.s32 $0xFFFFE003, lr  }
0x1b: {  	s9 =	sadd.s32 $0xFFFFFEF7, lr;
	s5 =	simm.s32 $0xFFFFFFFF;
	p2 =	slt.u32 s8, $0xFFFFF086  }
0x1c: {  	p1 =	slt.u32 s9, $0xF7A;
	s5 =	simm.s32 @!p2 $0x0  }
0x1d: {  	s5 =	simm.s32 @p1 $0x1;
	p0 =	seq.s32 s7, s2  }
0x1e: {  	s7 =	smul.u32 @!p0 $0xF7A, s2;
	p2 =	seq.s32 @!p0 s5, $0x0  }
0x1f: {  	s9 =	smul.u32 $0xF7A, s1;
	s8 =	simm.s32 @!p0 $0x1BF5;
	p2 =	por !p2, p0  }
0x20: {  	[sflag:s8] =	ssyncset.s32 @!p0 $0xFFFFF086;
	s6 =	sadd.s32 @!p0 s3, s7;
	s7 =	simm.s32 @!p0 $0x108  }
0x21: {  	s3 =	sadd.s32 s3, s9;
	s6 =	sadd.s32 @!p0 $0x88, s6;
	s7 =	simm.s32 @p2 $0x1082  }
0x22: {  	[simem:s7], [sflag:s8] =	dma.local @!p0 [hbm:s6], $0xF7A  }
0x23: {  	s9 =	sor.u32 $0xD0000000, s2;
	s6 =	simm.s32 $0x108;
	_ =	swait.ge @!p0 [sflag:s8], $0x0  }
0x24: {  	s3 =	sadd.s32 $0x88, s3;
	s6 =	simm.s32 @!p1 $0x1082;
	[sflag:s4] =	ssyncset.s32 $0xFFFFF086  }
0x25: {  	[simem:s6], [sflag:s4] =	dma.local [hbm:s3], $0xF7A  }
0x26: {  	[smem:$0x3F9A] =	sst s1;
	(tag) =	ssettag s2;
	_ =	strace s9  }
0x27: {  	s1 =	sld [smem:$0x3FAA]  }
0x28: {  	s2 =	sld [smem:$0x3FAB]  }
0x29: {  	s4 =	sld [smem:$0x3FAD]  }
0x2a: {  	p0 =	seq.s32 s5, $0x0;
	s5 =	sld [smem:$0x3FAE]  }
0x2b: {  	s6 =	sld [smem:$0x3FAF]  }
0x2c: {  	s7 =	sld [smem:$0x3FB0]  }
0x2d: {  	s3 =	simm.s32 $0x108;
	s8 =	sld [smem:$0x3FB1]  }
0x2e: {  	s3 =	simm.s32 @!p0 $0x1082;
	s9 =	sld [smem:$0x3FB2]  }
0x2f: {  	lr =	sadd.s32 s0, s3;
	s0 =	sld [smem:$0x3FA9]  }
0x30: {  	s3 =	sld [smem:$0x3FAC]  }
0x31: {  	[smem:$0x3FB5] =	sst s10  }
0x32: {  	s10 =	sld [smem:$0x3FB3];
	_ =	sdelay $0x3  }
0x33: {  	p0 =	seq.s32 s10, $0x1;
	s10 =	sld [smem:$0x3FB5];
	_ =	sdelay $0x3  }
0x34: {  	[smem:$0x3FB5] =	sst s10  }
0x35: {  	s10 =	sld [smem:$0x3FB4];
	_ =	sdelay $0x3  }
0x36: {  	p1 =	seq.s32 s10, $0x1;
	s10 =	sld [smem:$0x3FB5];
	_ =	sdelay $0x3  }
0x37: {  	[smem:$0x3FB5] =	sst s10  }
0x38: {  	s10 =	sld [smem:$0x3FB6]  }
0x39: {  	_ = 	snop;
	(pc) =	sbr.ind lr, $3  }
0x3a: {  	_ = 	snop  }
0x3b: {  	_ = 	snop  }
0x3c: {  	p2 =	seq.s32 s10, $0x1;
	s10 =	sld [smem:$0x3FB5]  }
0x3d: {  	_ =	shalt  }
0x3e: {  	_ =	shalt  }
0x3f: {  	_ =	shalt  }
0x40: {  	_ =	shalt  }
0x41: {  	_ =	shalt  }
0x42: {  	_ =	shalt  }
0x43: {  	_ =	shalt  }
0x44: {  	_ =	shalt  }
0x45: {  	_ =	shalt  }
0x46: {  	_ =	shalt  }
0x47: {  	_ =	shalt  }
0x48: {  	_ =	shalt  }
0x49: {  	_ =	shalt  }
0x4a: {  	_ =	shalt  }
0x4b: {  	_ =	shalt  }
0x4c: {  	_ =	shalt  }
0x4d: {  	_ =	shalt  }
0x4e: {  	_ =	shalt  }
0x4f: {  	_ =	shalt  }
0x50: {  	_ =	shalt  }
0x51: {  	_ =	shalt  }
0x52: {  	_ =	shalt  }
0x53: {  	_ =	shalt  }
0x54: {  	_ =	shalt  }
0x55: {  	_ =	shalt  }
0x56: {  	_ =	shalt  }
0x57: {  	_ =	shalt  }
0x58: {  	_ =	shalt  }
0x59: {  	_ =	shalt  }
0x5a: {  	_ =	shalt  }
0x5b: {  	_ =	shalt  }
0x5c: {  	_ =	shalt  }
0x5d: {  	_ =	shalt  }
0x5e: {  	_ =	shalt  }
0x5f: {  	_ =	shalt  }
0x60: {  	_ =	shalt  }
0x61: {  	_ =	shalt  }
0x62: {  	_ =	shalt  }
0x63: {  	_ =	shalt  }
0x64: {  	_ =	shalt  }
0x65: {  	_ =	shalt  }
0x66: {  	_ =	shalt  }
0x67: {  	_ =	shalt  }
0x68: {  	_ =	shalt  }
0x69: {  	_ =	shalt  }
0x6a: {  	_ =	shalt  }
0x6b: {  	_ =	shalt  }
0x6c: {  	_ =	shalt  }
0x6d: {  	_ =	shalt  }
0x6e: {  	_ =	shalt  }
0x6f: {  	_ =	shalt  }
0x70: {  	_ =	shalt  }
0x71: {  	_ =	shalt  }
0x72: {  	_ =	shalt  }
0x73: {  	_ =	shalt  }
0x74: {  	_ =	shalt  }
0x75: {  	_ =	shalt  }
0x76: {  	_ =	shalt  }
0x77: {  	_ =	shalt  }
0x78: {  	_ =	shalt  }
0x79: {  	_ =	shalt  }
0x7a: {  	_ =	shalt  }
0x7b: {  	_ =	shalt  }
0x7c: {  	_ =	shalt  }
0x7d: {  	_ =	shalt  }
0x7e: {  	_ =	shalt  }
0x7f: {  	_ =	shalt  }
0x80: {  	_ =	shalt  }
0x81: {  	_ =	shalt  }
0x82: {  	_ =	shalt  }
0x83: {  	_ =	shalt  }
0x84: {  	_ =	shalt  }
0x85: {  	_ =	shalt  }
0x86: {  	_ =	shalt  }
0x87: {  	_ =	shalt  }
.Lfunc_end0:
.L_simem_size_0:
called_computation_lowered:
.L_overlay_start_0:
0x88: {  	s2 =	sld [smem:$0x3FD9]  }
0x89: {  	s3 =	sld [smem:$0x3FFE];
	_ =	sdelay $0x1  }
0x8a: {  	s1 =	srdreg.scid  }
0x8b: {  	s0 =	sand.u32 $0x1, s1  }
0x8c: {  	s17 =	sshll.u32 s0, $0xA;
	s2 =	sadd.s32 s3, s2  }
0x8d: {  	s2 =	sadd.s32 s2, s17  }
0x8e: {  	[smem:$0x3FC1] =	sst s2  }
0x8f: {  	_ = 	snop  }
0x90: {  	s2 =	sld [smem:$0x3FD0];
	(tm) =	ssettm $0x1  }
0x91: {  	s18 =	sld [smem:$0x3FFB];
	_ =	sdelay $0x3  }
0x92: {  	_ =	strace s18  }
0x93: {  	s3 =	sld [smem:$0x3FFC];
	_ =	sdelay $0x3  }
0x94: {  	_ =	strace s3  }
0x95: {  	s3 =	sld [smem:$0x3FFD];
	_ =	sdelay $0x3  }
0x96: {  	_ =	strace s3  }
0x97: {  	_ =	strace $0x8FFFFFFF  }
0x98: {  	s19 =	sld [smem:$0x3FDB];
	_ =	sdelay $0x1  }
0x99: {  	s4 =	simm.s32 $_scs_section_size  }
0x9a: {  	s5 =	simm.s32 $_size__tile_overlayer_lowered;
	s6 =	simm.s32 $_tile_overlayer_lowered  }
0x9b: {  	s22 =	simm.s32 $0x1BFF;
	s21 =	sshll.u32 s6, $0x1;
	s3 =	sadd.s32 s4, s19  }
0x9c: {  	s7 =	simm.s32 $0x0;
	s20 =	sshll.u32 s5, $0x1;
	s5 =	sadd.s32 s21, s3  }
0x9d: {  	[timem:s7], [sflag:s22] =	dma.local [hbm:s5], s20  }
0x9e: {  	_ =	swait.ge [sflag:s22], s20  }
0x9f: {  	s4 =	ssub.s32 $0x0, s20;
	[sflag:s22] =	ssyncset.done $0x0  }
0xa0: {  	[sflag:s22] =	ssyncadd.s32 s4;
	_ =	sdelay $0x1  }
0xa1: {  	s23 =	simm.s32 $0x1B8B  }
0xa2: {  	_ =	swait.ge [sflag:s23], $0x1  }
0xa3: {  	[sflag:s23] =	ssyncset.done $0x0  }
0xa4: {  	s25 =	simm.s32 $0x1B8E;
	s24 =	sld [smem:$0x3FFE];
	[sflag:s23] =	ssyncadd.s32 $0xFFFFFFFF  }
0xa5: {  	s26 =	simm.s32 $execute0_lowered;
	[smem:$0x3FD2] =	sst s25  }
0xa6: {  	s5 =	sshll.u32 s26, $0x1;
	_ =	strace $0x80000046;
	[dreg:$0x1] =	wrdreg $0xFFFFFFFF  }
0xa7: {  	s28 =	simm.s32 $_size_execute0_lowered;
	s3 =	sadd.s32 s3, s5;
	[dreg:$0x0] =	wrdreg $0x0  }
0xa8: {  	s5 =	sshll.u32 s28, $0x1;
	[dreg:$0x2] =	wrdreg s3  }
0xa9: {  	[dreg:$0x3] =	wrdreg s5  }
0xaa: {  	[dreg:$0x4] =	wrdreg $0xC0  }
0xab: {  	_ =	task [dreg:s7], $0x5FFFF  }
0xac: {  	[dreg:$0x1] =	wrdreg $0xFFFFFFFF  }
0xad: {  	[dreg:$0x0] =	wrdreg $0x60  }
0xae: {  	[dreg:$0x2] =	wrdreg s24  }
0xaf: {  	[dreg:$0x3] =	wrdreg s2  }
0xb0: {  	[dreg:$0x4] =	wrdreg $0x9  }
0xb1: {  	_ =	task.clear_ibuf [dreg:s7], $0x5FFFF;
	_ =	strace $0x90000046  }
0xb2: {  	s29 =	simm.s32 $0x9;
	_ =	strace $0x80000048  }
0xb3: {  	_ =	swait.ge [sflag:s29], $0x1  }
0xb4: {  	[sflag:s29] =	ssyncadd.s32 $0xFFFFFFFF  }
0xb5: {  	_ =	strace $0x90000048  }
0xb6: {  	_ =	sfence  }
0xb7: {  	s30 =	sld [smem:$0x0];
	_ =	sdelay $0x2  }
0xb8: {  	s31 =	sshll.u32 s1, $0xD;
	s1 =	sshrl.u32 s1, $0x2  }
0xb9: {  	s3 =	sand.u32 $0x4000, s31;
	s1 =	sadd.s32 s1, s30  }
0xba: {  	s0 =	sor.u32 s3, s0;
	s1 =	sshll.u32 s1, $0x11  }
0xbb: {  	s0 =	sor.u32 s1, s0  }
0xbc: {  	s0 =	sadd.s32 $0x8F2B, s0  }
0xbd: {  	[sflag:s0] =	ssyncadd.remote.s32 $0x1  }
0xbe: {  	_ =	sfence.sel $0xFFFF  }
0xbf: {  	[dreg:$0x0] =	wrdreg $0xFFFFFFFF;
	(pc) =	sbr.abs _section_cstart, $3  }
0xc0: {  	[dreg:$0x1] =	wrdreg $0xFFFFFFFF  }
0xc1: {  	_ =	task.clear_ibuf [dreg:s7], $0x2FFFF;
	_ =	strace $0x9FFFFFFF  }
0xc2: {  	(tm) =	ssettm $0x7FFFFFFF  }
0xc3: {  	_ =	shalt  }
tec
execute0_lowered:
.L_overlay_start_1:
0x0: {  	(tag) =	ssettag $0x1  }
0x1: {  	s2 =	rddreg [dreg:$0x0]  }
0x2: {  	s3 =	rddreg [dreg:$0x1]  }
0x3: {  	s0 =	rddreg [dreg:$0x2];
	s1 =	srdreg.scid;
	_ =	strace $0x80000047  }
0x4: {  	s4 =	simm.s32 $0x1;
	s9 =	simm.s32 $0x3;
	s5 =	sshll.u32 s1, $0x4  }
.Ltmp0:
0x5: {  	s1 =	stileid.u32;
	s5 =	sand.u32 $0x10, s5;
	(pc) =	sbr.rel .LBB2_1-.Ltmp0, $4  }
0x6: {  	s11 =	simm.s32 $0x0;
	p0 =	por $0x0, $0x0;
	s6 =	sor.u32 s1, s5  }
0x7: {  	[sflag:s4] =	ssyncpa.u1 $0x0;
	s5 =	simm.s32 $0x2;
	s6 =	sshll.u32 s6, $0x9  }
0x8: {  	s7 =	sadd.s32 $0x188000, s2;
	[sflag:s5] =	ssyncpa.u1 $0x0;
	s8 =	sadd.s32 $0x200, s6  }
0x9: {  	vm0 =	vmmov $0xff;
	vm1 =	vcmask $0x3F20;
	[sflag:s9] =	ssyncpa.u1 $0x0;
	s10 =	smov.u32 s6;
	s9 =	simm.s32 $0x0  }
.LBB2_7:
0xa: {  	p1 =	slt.u32 s9, $0x2;
	s11 =	sadd.s32 $0x100, s10  }
0xb: {  	s13 =	smov.u32 s6;
	s9 =	sadd.s32 $0x1, s9;
	p2 =	slt.s32 s11, s8  }
0xc: {  	s13 =	smov.u32 @p2 s11;
	p2 =	sne.s32 s9, $0x4  }
.Ltmp1:
0xd: {  	_ = 	snop;
	(pc) =	sbr.rel @!p2 .LBB2_8-.Ltmp1, $4  }
0xe: {  	s12 =	simm.s32 @!p1 $0x3  }
0xf: {  	_ =	swait.ge @!p1 [sflag:s12], $0x8000  }
0x10: {  	p0 =	por !p0, !p0;
	[sflag:s12] =	ssyncset.done @!p1 $0x0  }
0x11: {  	s11 =	smov.u32 s10;
	s10 =	smov.u32 s13;
	[sflag:s12] =	ssyncadd.s32 @!p1 $0xFFFF8000  }
.LBB2_1:
0x12: {  	p1 =	sgt.u32 s9, $0x1  }
0x13: {  	s12 =	sshll.u32 @!p1 s9, $0x8;
	s13 =	sshrl.u32 @!p1 s10, $0x3  }
0x14: {  	s14 =	sand.u32 @!p1 $0x7, s10;
	s12 =	sxor.u32 @!p1 $0x100, s12;
	s13 =	sadd.s32 @!p1 s3, s13  }
0x15: {  	[tilespmem:s12], [sflag:$0x2] =	stream.linear.gather @!p1 [hbm4b:s13+s14], $0x100, $0x38;
	[tilespmem:$0x10200] =	vst v63  }
0x16: {  	p1 =	seq.s32 s9, $0x0  }
0x17: {  	p2 =	seq.s32 @!p1 s9, $0x3  }
0x18: {  	p1 =	por p1, p2  }
.Ltmp2:
0x19: {  	_ = 	snop;
	(pc) =	sbr.rel @p1 .LBB2_7-.Ltmp2, $1  }
0x1a: {  	_ =	sdelay $0x3  }
0x1b: {  	s12 =	simm.s32 $0x1  }
0x1c: {  	_ =	swait.ge [sflag:s5], $0x100;
	s12 =	simm.s32 @!p0 $0x0  }
0x1d: {  	[sflag:s5] =	ssyncset.done $0x0;
	s14 =	sshll.u32 s12, $0x8  }
0x1e: {  	[sflag:s5] =	ssyncadd.s32 $0xFFFFFF00;
	s13 =	sadd.s32 $0x0, s14  }
0x1f: {  	v0 =	vld.msk [tilespmem:s13+$0x0 ss:$0x1], $0xffff;
	_ =	sdelay $0x4  }
0x20: {  	vm2 =	vgt.s32 v0, $0x0  }
0x21: {  	v0 =	vnsel vm2, $0x0, v0  }
0x22: {  	v0 =	vmin.u32 v0, $0x187FF  }
0x23: {  	v0 =	vshll.u32 v0, $0x4;
	_ =	sdelay $0x2  }
0x24: {  	s12 =	sshll.u32 s12, $0xF  }
0x25: {  	s12 =	sor.u32 $0x200, s12  }
0x26: {  	[tilespmem:s12], [sflag:$0x1] =	stream.indirect_vreg.gather [hbm:s2], $0x80, v0, vm0, $0x38;
	[tilespmem:$0x10200] =	vst v63  }
0x27: {  	s15 =	sadd.s32 $0x10, s14;
	s13 =	sadd.s32 $0x400, s12  }
0x28: {  	[tilespmem:s13], [sflag:$0x1] =	stream.indirect_vreg.gather [hbm:s2], $0x80, v0, vm1, $0x38;
	[tilespmem:$0x10200] =	vst v63  }
0x29: {  	s16 =	simm.s32 $0x80;
	v0 =	vld.msk [tilespmem:s15+$0x0 ss:$0x1], $0xffff;
	s15 =	smov.u32 s12  }
.LBB2_3:
0x2a: {  	p1 =	sne.s32 s16, $0x3C0;
	_ =	sdelay $0x4  }
0x2b: {  	vm2 =	vgt.s32 v0, $0x0  }
0x2c: {  	v0 =	vnsel vm2, $0x0, v0  }
0x2d: {  	v0 =	vmin.u32 v0, $0x187FF  }
0x2e: {  	v0 =	vshll.u32 v0, $0x4;
	_ =	sdelay $0x3  }
.Ltmp3:
0x2f: {  	s17 =	sshra.s32 s16, $0x2;
	s15 =	sadd.s32 $0x800, s15;
	(pc) =	sbr.rel @p1 .LBB2_3-.Ltmp3, $4  }
0x30: {  	[tilespmem:s15], [sflag:$0x1] =	stream.indirect_vreg.gather [hbm:s2], $0x80, v0, vm0, $0x38;
	[tilespmem:$0x10200] =	vst v63  }
0x31: {  	s17 =	sadd.s32 s17, s14;
	s18 =	sadd.s32 $0x400, s15  }
0x32: {  	[tilespmem:s18], [sflag:$0x1] =	stream.indirect_vreg.gather [hbm:s2], $0x80, v0, vm1, $0x38;
	[tilespmem:$0x10200] =	vst v63  }
0x33: {  	s16 =	sadd.s32 $0x40, s16;
	v0 =	vld.msk [tilespmem:s17+$0x0 ss:$0x1], $0xffff  }
0x34: {  	_ =	sdelay $0x3  }
0x35: {  	vm2 =	vgt.s32 v0, $0x0  }
0x36: {  	v0 =	vnsel vm2, $0x0, v0  }
0x37: {  	v0 =	vmin.u32 v0, $0x187FF  }
0x38: {  	v0 =	vshll.u32 v0, $0x4;
	_ =	sdelay $0x3  }
0x39: {  	s14 =	sadd.s32 $0x800, s15  }
0x3a: {  	[tilespmem:s14], [sflag:$0x1] =	stream.indirect_vreg.gather [hbm:s2], $0x80, v0, vm0, $0x38;
	[tilespmem:$0x10200] =	vst v63  }
0x3b: {  	s14 =	sadd.s32 $0x400, s14  }
0x3c: {  	[tilespmem:s14], [sflag:$0x1] =	stream.indirect_vreg.gather [hbm:s2], $0x80, v0, vm1, $0x38;
	[tilespmem:$0x10200] =	vst v63  }
0x3d: {  	s11 =	sshll.u32 s11, $0x4;
	_ =	swait.ge [sflag:s4], $0x8000  }
0x3e: {  	s11 =	sadd.s32 s11, s7;
	[sflag:s4] =	ssyncset.done $0x0  }
0x3f: {  	s15 =	sadd.s32 $0x0, s11;
	s14 =	simm.s32 $0x80;
	[sflag:s4] =	ssyncadd.s32 $0xFFFF8000  }
.LBB2_5:
0x40: {  	[hbm:s15] =	stream.linear.scatter [tilespmem:s12], [sflag:$0x3], $0x400, $0x38;
	[tilespmem:$0x10200] =	vst v63  }
0x41: {  	s15 =	smov.u32 s14;
	s12 =	smov.u32 s13;
	p1 =	sne.s32 s14, $0xF80  }
.Ltmp4:
0x42: {  	s14 =	sadd.s32 $0x80, s14;
	(pc) =	sbr.rel @p1 .LBB2_5-.Ltmp4, $2  }
0x43: {  	_ =	sdelay $0x2  }
0x44: {  	s13 =	sadd.s32 $0x400, s13;
	s15 =	sadd.s32 s15, s11  }
.Ltmp5:
0x45: {  	(pc) =	sbr.rel .LBB2_7-.Ltmp5, $2  }
0x46: {  	_ =	sdelay $0x2  }
0x47: {  	[hbm:s15] =	stream.linear.scatter [tilespmem:s12], [sflag:$0x3], $0x400, $0x38;
	[tilespmem:$0x10200] =	vst v63  }
.LBB2_8:
0x48: {  	_ =	sfence.sel $0x180000  }
0x49: {  	s2 =	simm.s32 $0x2;
	[bflag:$0x0] =	sbarrier.arrive $0xFFFF  }
0x4a: {  	s30 =	simm.s32 $0x3;
	[sflag:s2] =	ssyncpa.u1 $0x1  }
0x4b: {  	s31 =	simm.s32 $0x1;
	[sflag:s30] =	ssyncpa.u1 $0x1  }
0x4c: {  	[sflag:s31] =	ssyncpa.u1 $0x1  }
0x4d: {  	p0 =	sne.s32 s1, $0x0;
	_ =	strace $0x90000047  }
0x4e: {  	s0 =	sadd.s32 @!p0 $0x100000, s0;
	[bflag:$0x2] =	sbarrier.arrive $0xFFFF  }
0x4f: {  	[sflag:s0] =	ssyncadd.tile.s32 @!p0 $0x1;
	_ =	shalt  }
.Lfunc_end2:
_tile_overlayer_lowered:
.L_overlay_start_2:
0x50: {  	(tag) =	ssettag $0x2  }
0x51: {  	s0 =	rddreg [dreg:$0x0];
	s2 =	stileid.u32  }
0x52: {  	s1 =	rddreg [dreg:$0x1];
	p0 =	sne.s32 s2, $0x0  }
0x53: {  	s3 =	rddreg [dreg:$0x2];
	[bflag:$0x3] =	sbarrier.arrive $0xFFFF;
	s2 =	simm.s32 @!p0 $0x1C01  }
0x54: {  	[timem:s3], [sflag:s2] =	dma.local @!p0 [hbm:s0], s1  }
0x55: {  	s0 =	simm.s32 @!p0 $0x1  }
0x56: {  	_ =	swait.ge @!p0 [sflag:s0], s1  }
0x57: {  	s1 =	ssub.s32 @!p0 $0x0, s1;
	[sflag:s0] =	ssyncset.done @!p0 $0x0  }
0x58: {  	[sflag:s0] =	ssyncadd.s32 @!p0 s1  }
0x59: {  	[bflag:$0x3] =	sbarrier.arrive $0xFFFF  }
0x5a: {  	_ =	shalt  }

</sc_bundles>
